<compile_context>
chip_gen: v7x
topology: tpu7x:2x2x1
jax: 0.10.2.dev20260603
libtpu: 0.0.44.dev20260713+nightly
codegen_flags: <defaults>
</compile_context>

<pallas_src>
import jax
import jax.numpy as jnp
from jax import lax
from jax.experimental import pallas as pl
from jax.experimental.pallas import tpu as pltpu, tpu_sc as plsc

H = 64
IN = 2
GX, GY = 4, 4
NS = 4.0
OBS = 15
N = 1024
G = GX * GY

_DN_BT = (((1,), (1,)), ((), ()))

NW = 32
NPW = N // NW


def _stage_a(An_ref, AW_ref, B64_ref, ho_ref, idx_ref, h_ref):
    f32 = jnp.float32
    others = An_ref[0:N, 0:IN]
    maskf = An_ref[0:N, IN:IN + 1]
    b = An_ref[N:N + 4 * H, 0:1]
    WihT = AW_ref[0:IN, :]
    b_row = AW_ref[IN:IN + 1, :]
    Whh = B64_ref[0:4 * H, :]
    Wih = B64_ref[4 * H + 8:8 * H + 8, 0:IN]
    targetT = B64_ref[8 * H + 8:8 * H + 10, 0:OBS]

    xg = jnp.dot(Wih, targetT, preferred_element_type=f32) + b
    h = jnp.zeros((H, 1), f32)
    c = jnp.zeros((H, 1), f32)
    for t in range(OBS):
        gates = xg[:, t:t + 1] + jnp.dot(Whh, h, preferred_element_type=f32)
        gi = jax.nn.sigmoid(gates[0:H, :])
        gf = jax.nn.sigmoid(gates[H:2 * H, :])
        gg = jnp.tanh(gates[2 * H:3 * H, :])
        go = jax.nn.sigmoid(gates[3 * H:4 * H, :])
        c = gf * c + gi * gg
        h = go * jnp.tanh(c)
    h_ref[...] = h

    gates_o = jnp.dot(others, WihT, preferred_element_type=f32) + b_row
    co = (jax.nn.sigmoid(gates_o[:, 0:H])
          * jnp.tanh(gates_o[:, 2 * H:3 * H]))
    ho_ref[...] = (jax.nn.sigmoid(gates_o[:, 3 * H:4 * H])
                   * jnp.tanh(co))

    cell_w = NS / GX
    cell_h = NS / GY
    px = targetT[0:1, OBS - 1:OBS]
    py = targetT[1:2, OBS - 1:OBS]
    rx = others[:, 0:1] - px
    ry = others[:, 1:2] - py
    within = (jnp.abs(rx) <= NS / 2) & (jnp.abs(ry) <= NS / 2)
    cx = (rx / cell_w).astype(jnp.int32) + GX // 2
    cy = (ry / cell_h).astype(jnp.int32) + GY // 2
    inb = (cx >= 0) & (cx < GX) & (cy >= 0) & (cy < GY)
    m = within & inb & (maskf != 0.0)
    idx_ref[...] = jnp.where(m, cy * GX + cx, G)


def _stage_b(ho_hbm, idx_hbm, part_hbm, rows_v, idx_v, grid_v):
    cid = lax.axis_index("c")
    sid = lax.axis_index("s")
    wid = sid * 2 + cid
    base = wid * NPW
    pltpu.sync_copy(ho_hbm.at[pl.ds(base * H, NPW * H)], rows_v)
    pltpu.sync_copy(idx_hbm.at[pl.ds(base, NPW + 16)], idx_v)
    zeros = jnp.zeros((16,), jnp.float32)
    for i in range((G + 1) * H // 16):
        grid_v[pl.ds(i * 16, 16)] = zeros

    def body(n, carry):
        s = idx_v[pl.ds(n, 16)][0]
        row0 = s * H
        for l in range(H // 16):
            dst = pl.ds(row0 + l * 16, 16)
            grid_v[dst] = grid_v[dst] + rows_v[pl.ds(n * H + l * 16, 16)]
        return carry

    lax.fori_loop(0, NPW, body, jnp.int32(0))
    pltpu.sync_copy(grid_v.at[pl.ds(0, G * H)], part_hbm.at[wid])


def _scatter_sc(ho, idx_pad):
    mesh = plsc.VectorSubcoreMesh(core_axis_name="c", subcore_axis_name="s",
                                  num_cores=2, num_subcores=16)
    f = pl.kernel(
        _stage_b,
        out_type=jax.ShapeDtypeStruct((NW, G * H), jnp.float32),
        mesh=mesh,
        scratch_types=[
            pltpu.VMEM((NPW * H,), jnp.float32),
            pltpu.VMEM((NPW + 16,), jnp.int32),
            pltpu.VMEM(((G + 1) * H,), jnp.float32),
        ],
    )
    return f(ho.reshape(N * H), idx_pad)


def _stage_c(Cw_ref, D64_ref, out_ref):
    f32 = jnp.float32
    W1 = Cw_ref[0:H, :]
    parts = Cw_ref[H:H + NW, :]
    b1r = Cw_ref[H + NW:H + NW + 1, 0:H]
    b2r = Cw_ref[H + NW + 1:H + NW + 2, 0:H]
    hr = Cw_ref[H + NW + 2:H + NW + 3, 0:H]
    bcr = Cw_ref[H + NW + 3:H + NW + 4, 0:2]
    W2 = D64_ref[0:H, :]
    Wc = D64_ref[H:H + 2, :]

    st = jnp.sum(parts, axis=0, keepdims=True)
    acc = jax.lax.dot_general(st, W1, _DN_BT,
                              preferred_element_type=f32) + b1r
    sc = (jax.lax.dot_general(jnp.maximum(acc, 0.0), W2, _DN_BT,
                              preferred_element_type=f32) + b2r)
    out_ref[...] = (jax.lax.dot_general(hr + sc, Wc, _DN_BT,
                                        preferred_element_type=f32) + bcr)


def kernel(observed_trajectory_target, observed_trajectory_others, neighbor_mask,
           W_ih, W_hh, b_ih, b_hh, W1, b1, W2, b2, Wc, bc):
    others = observed_trajectory_others[OBS - 1]
    maskf = neighbor_mask[OBS - 1].astype(jnp.float32)[:, None]
    b_comb = b_ih + b_hh
    An = jnp.concatenate([
        jnp.concatenate([others, maskf], axis=1),
        jnp.pad(b_comb[:, None], ((0, 0), (0, 2))),
    ], axis=0)
    AW = jnp.concatenate([W_ih.T, b_comb[None, :]], axis=0)
    B64 = jnp.concatenate([
        W_hh,
        jnp.zeros((8, H), jnp.float32),
        jnp.pad(W_ih, ((0, 0), (0, H - IN))),
        jnp.pad(observed_trajectory_target.T, ((0, 6), (0, H - OBS))),
    ], axis=0)
    ho, idx, h = pl.pallas_call(
        _stage_a,
        out_shape=(
            jax.ShapeDtypeStruct((N, H), jnp.float32),
            jax.ShapeDtypeStruct((N, 1), jnp.int32),
            jax.ShapeDtypeStruct((H, 1), jnp.float32),
        ),
    )(An, AW, B64)

    idx_pad = jnp.concatenate([idx.reshape(N), jnp.zeros((16,), jnp.int32)])
    parts = _scatter_sc(ho, idx_pad)

    pad_row = lambda v: jnp.pad(v.reshape(1, -1),
                                ((0, 0), (0, G * H - v.size)))
    Cw = jnp.concatenate([
        W1, parts, pad_row(b1), pad_row(b2), pad_row(h), pad_row(bc),
    ], axis=0)
    D64 = jnp.concatenate([W2, Wc], axis=0)
    out = pl.pallas_call(
        _stage_c,
        out_shape=jax.ShapeDtypeStruct((1, 2), jnp.float32),
    )(Cw, D64)
    return out

# --- scband reference (transcript-rebuilt; emitter-appended) ---
"""Pipeline reference for scband-social-lstmclassifier-14370960572579 (READ-ONLY COPY).

The authoritative reference and input builder live on the scoring server;
editing this copy changes nothing except your own understanding.
"""

import jax, jax.numpy as jnp
import numpy as np

H = 64
IN = 2
GX, GY = 4, 4
NS = 4.0
OBS = 15
N = 1024


def setup_inputs(seed: int = 0) -> dict:
    key = jax.random.key(seed)
    ks = jax.random.split(key, 14)
    s = 0.1
    return {
        "observed_trajectory_target": jax.random.normal(ks[0], (OBS, IN), dtype=jnp.float32),
        "observed_trajectory_others": jax.random.normal(ks[1], (OBS, N, IN), dtype=jnp.float32),
        "neighbor_mask": jax.random.randint(ks[2], (OBS, N), 0, 2).astype(jnp.int32),
        "W_ih": jax.random.normal(ks[3], (4 * H, IN), dtype=jnp.float32) * s,
        "W_hh": jax.random.normal(ks[4], (4 * H, H), dtype=jnp.float32) * s,
        "b_ih": jax.random.normal(ks[5], (4 * H,), dtype=jnp.float32) * s,
        "b_hh": jax.random.normal(ks[6], (4 * H,), dtype=jnp.float32) * s,
        "W1": jax.random.normal(ks[7], (H, H * GX * GY), dtype=jnp.float32) * s,
        "b1": jax.random.normal(ks[8], (H,), dtype=jnp.float32) * s,
        "W2": jax.random.normal(ks[9], (H, H), dtype=jnp.float32) * s,
        "b2": jax.random.normal(ks[10], (H,), dtype=jnp.float32) * s,
        "Wc": jax.random.normal(ks[11], (2, H), dtype=jnp.float32) * s,
        "bc": jax.random.normal(ks[12], (2,), dtype=jnp.float32) * s,
    }


def _lstm_cell(x, h, c, W_ih, W_hh, b_ih, b_hh):
    gates = x @ W_ih.T + b_ih + h @ W_hh.T + b_hh
    i, f, g, o = jnp.split(gates, 4, axis=-1)
    c2 = jax.nn.sigmoid(f) * c + jax.nn.sigmoid(i) * jnp.tanh(g)
    h2 = jax.nn.sigmoid(o) * jnp.tanh(c2)
    return h2, c2


def _social_grid(hidden_others, positions, ref_pos, mask):
    cell_w = NS / GX
    cell_h = NS / GY
    rel = positions - ref_pos
    rx, ry = rel[:, 0], rel[:, 1]
    within = (jnp.abs(rx) <= NS / 2) & (jnp.abs(ry) <= NS / 2)
    cx = (rx / cell_w).astype(jnp.int32) + GX // 2
    cy = (ry / cell_h).astype(jnp.int32) + GY // 2
    inb = (cx >= 0) & (cx < GX) & (cy >= 0) & (cy < GY)
    m = within & inb & (mask != 0)
    idx = jnp.where(m, cy * GX + cx, 0)
    contrib = hidden_others * m[:, None].astype(hidden_others.dtype)
    grid = jnp.zeros((GX * GY, hidden_others.shape[-1]), dtype=hidden_others.dtype).at[idx].add(contrib)
    return grid.reshape(1, -1)


def reference(observed_trajectory_target, observed_trajectory_others, neighbor_mask,
              W_ih, W_hh, b_ih, b_hh, W1, b1, W2, b2, Wc, bc):
    h_t = jnp.zeros((1, H), dtype=jnp.float32)
    c_t = jnp.zeros((1, H), dtype=jnp.float32)
    combined = h_t
    for t in range(OBS):
        x_t = observed_trajectory_target[t][None, :]
        pos_t = x_t[:, :2]
        h_t, c_t = _lstm_cell(x_t, h_t, c_t, W_ih, W_hh, b_ih, b_hh)
        others = observed_trajectory_others[t]
        ho = jnp.zeros((N, H), dtype=jnp.float32)
        co = jnp.zeros((N, H), dtype=jnp.float32)
        ho, co = _lstm_cell(others, ho, co, W_ih, W_hh, b_ih, b_hh)
        st = _social_grid(ho, others[:, :2], pos_t[0], neighbor_mask[t])
        sc = jax.nn.relu(st @ W1.T + b1) @ W2.T + b2
        combined = h_t + sc
    return combined @ Wc.T + bc

if __name__ == "__main__":
    import jax
    _d = setup_inputs()
    print(jax.jit(kernel)(*tuple(_d.values())))

</pallas_src>

<mosaic_0001>
#map = affine_map<(d0, d1) -> (0)>
#map1 = affine_map<(d0, d1) -> (0, 0)>
module attributes {stable_mosaic.version = 14 : i64} {
  func.func @_stage_b(%arg0: i32, %arg1: i32, %arg2: memref<65536xf32, #tpu.memory_space<hbm>>, %arg3: memref<1040xi32, #tpu.memory_space<hbm>>, %arg4: memref<32x1024xf32, #tpu.memory_space<hbm>>, %arg5: memref<2048xf32, #tpu.memory_space<vmem>>, %arg6: memref<48xi32, #tpu.memory_space<vmem>>, %arg7: memref<1088xf32, #tpu.memory_space<vmem>>) attributes {dimension_semantics = [#tpu.dimension_semantics<core_parallel>, #tpu.dimension_semantics<subcore_parallel>], iteration_bounds = array<i64: 2, 16>, scalar_prefetch = 0 : i64, scratch_operands = 3 : i64, tpu.core_type = #tpu.core_type<sc_vector_subcore>, window_params = [{transform_indices = #map}, {transform_indices = #map}, {transform_indices = #map1}]} {
    %mul3A = arith.constant 2 : i32
    %mul3A_0 = arith.muli %arg1, %mul3A : i32
    %add3A = arith.addi %mul3A_0, %arg0 : i32
    %mul3A_1 = arith.constant 32 : i32
    %mul3A_2 = arith.muli %add3A, %mul3A_1 : i32
    %mul3A_3 = arith.constant 64 : i32
    %mul3A_4 = arith.muli %mul3A_2, %mul3A_3 : i32
    "tpu.region"() ({
      %run_scoped3A = tpu.sem_alloc : memref<!tpu.dma_semaphore, #tpu.memory_space<semaphore_mem>>
      %dma_start3A = tpu.memref_slice %arg2[%mul3A_4] : memref<65536xf32, #tpu.memory_space<hbm>> -> memref<2048xf32, #tpu.memory_space<hbm>>
      %dma_start3A_282 = tpu.memref_slice %arg2[%mul3A_4] : memref<65536xf32, #tpu.memory_space<hbm>> -> memref<2048xf32, #tpu.memory_space<hbm>>
      tpu.enqueue_dma source(%dma_start3A_282 : memref<2048xf32, #tpu.memory_space<hbm>>) target(%arg5 : memref<2048xf32, #tpu.memory_space<vmem>>) target_semaphore(%run_scoped3A : memref<!tpu.dma_semaphore, #tpu.memory_space<semaphore_mem>>)
      %dma_wait3A = tpu.memref_slice %arg2[%mul3A_4] : memref<65536xf32, #tpu.memory_space<hbm>> -> memref<2048xf32, #tpu.memory_space<hbm>>
      %dma_wait3A_283 = tpu.memref_slice %arg2[%mul3A_4] : memref<65536xf32, #tpu.memory_space<hbm>> -> memref<2048xf32, #tpu.memory_space<hbm>>
      tpu.wait_dma2 semaphore(%run_scoped3A : memref<!tpu.dma_semaphore, #tpu.memory_space<semaphore_mem>>) src(%dma_wait3A_283 : memref<2048xf32, #tpu.memory_space<hbm>>) dst(%arg5 : memref<2048xf32, #tpu.memory_space<vmem>>)
      tpu.yield
    }) : () -> ()
    "tpu.region"() ({
      %run_scoped3A = tpu.sem_alloc : memref<!tpu.dma_semaphore, #tpu.memory_space<semaphore_mem>>
      %dma_start3A = tpu.memref_slice %arg3[%mul3A_2] : memref<1040xi32, #tpu.memory_space<hbm>> -> memref<48xi32, #tpu.memory_space<hbm>>
      %dma_start3A_282 = tpu.memref_slice %arg3[%mul3A_2] : memref<1040xi32, #tpu.memory_space<hbm>> -> memref<48xi32, #tpu.memory_space<hbm>>
      tpu.enqueue_dma source(%dma_start3A_282 : memref<48xi32, #tpu.memory_space<hbm>>) target(%arg6 : memref<48xi32, #tpu.memory_space<vmem>>) target_semaphore(%run_scoped3A : memref<!tpu.dma_semaphore, #tpu.memory_space<semaphore_mem>>)
      %dma_wait3A = tpu.memref_slice %arg3[%mul3A_2] : memref<1040xi32, #tpu.memory_space<hbm>> -> memref<48xi32, #tpu.memory_space<hbm>>
      %dma_wait3A_283 = tpu.memref_slice %arg3[%mul3A_2] : memref<1040xi32, #tpu.memory_space<hbm>> -> memref<48xi32, #tpu.memory_space<hbm>>
      tpu.wait_dma2 semaphore(%run_scoped3A : memref<!tpu.dma_semaphore, #tpu.memory_space<semaphore_mem>>) src(%dma_wait3A_283 : memref<48xi32, #tpu.memory_space<hbm>>) dst(%arg6 : memref<48xi32, #tpu.memory_space<vmem>>)
      tpu.yield
    }) : () -> ()
    %broadcast_in_dim3A = arith.constant 0.000000e+00 : f32
    %broadcast_in_dim3A_5 = vector.broadcast %broadcast_in_dim3A : f32 to vector<16xf32>
    %swap3A = arith.constant 0 : index
    %swap3A_6 = tpu.vector_load %arg7[%swap3A] {strides = array<i32>} : memref<1088xf32, #tpu.memory_space<vmem>>, vector<16xf32>,
    %swap3A_7 = vector.shape_cast %swap3A_6 : vector<16xf32> to vector<16xf32>
    %swap3A_8 = vector.shape_cast %broadcast_in_dim3A_5 : vector<16xf32> to vector<16xf32>
    tpu.vector_store %arg7[%swap3A], %swap3A_8 {strides = array<i32>} : memref<1088xf32, #tpu.memory_space<vmem>>, vector<16xf32>,
    %swap3A_9 = arith.constant 16 : index
    %swap3A_10 = tpu.vector_load %arg7[%swap3A_9] {strides = array<i32>} : memref<1088xf32, #tpu.memory_space<vmem>>, vector<16xf32>,
    %swap3A_11 = vector.shape_cast %swap3A_10 : vector<16xf32> to vector<16xf32>
    %swap3A_12 = vector.shape_cast %broadcast_in_dim3A_5 : vector<16xf32> to vector<16xf32>
    tpu.vector_store %arg7[%swap3A_9], %swap3A_12 {strides = array<i32>} : memref<1088xf32, #tpu.memory_space<vmem>>, vector<16xf32>,
    %swap3A_13 = arith.constant 32 : index
    %swap3A_14 = tpu.vector_load %arg7[%swap3A_13] {strides = array<i32>} : memref<1088xf32, #tpu.memory_space<vmem>>, vector<16xf32>,
    %swap3A_15 = vector.shape_cast %swap3A_14 : vector<16xf32> to vector<16xf32>
    %swap3A_16 = vector.shape_cast %broadcast_in_dim3A_5 : vector<16xf32> to vector<16xf32>
    tpu.vector_store %arg7[%swap3A_13], %swap3A_16 {strides = array<i32>} : memref<1088xf32, #tpu.memory_space<vmem>>, vector<16xf32>,
    %swap3A_17 = arith.constant 48 : index
    %swap3A_18 = tpu.vector_load %arg7[%swap3A_17] {strides = array<i32>} : memref<1088xf32, #tpu.memory_space<vmem>>, vector<16xf32>,
    %swap3A_19 = vector.shape_cast %swap3A_18 : vector<16xf32> to vector<16xf32>
    %swap3A_20 = vector.shape_cast %broadcast_in_dim3A_5 : vector<16xf32> to vector<16xf32>
    tpu.vector_store %arg7[%swap3A_17], %swap3A_20 {strides = array<i32>} : memref<1088xf32, #tpu.memory_space<vmem>>, vector<16xf32>,
    %swap3A_21 = arith.constant 64 : index
    %swap3A_22 = tpu.vector_load %arg7[%swap3A_21] {strides = array<i32>} : memref<1088xf32, #tpu.memory_space<vmem>>, vector<16xf32>,
    %swap3A_23 = vector.shape_cast %swap3A_22 : vector<16xf32> to vector<16xf32>
    %swap3A_24 = vector.shape_cast %broadcast_in_dim3A_5 : vector<16xf32> to vector<16xf32>
    tpu.vector_store %arg7[%swap3A_21], %swap3A_24 {strides = array<i32>} : memref<1088xf32, #tpu.memory_space<vmem>>, vector<16xf32>,
    %swap3A_25 = arith.constant 80 : index
    %swap3A_26 = tpu.vector_load %arg7[%swap3A_25] {strides = array<i32>} : memref<1088xf32, #tpu.memory_space<vmem>>, vector<16xf32>,
    %swap3A_27 = vector.shape_cast %swap3A_26 : vector<16xf32> to vector<16xf32>
    %swap3A_28 = vector.shape_cast %broadcast_in_dim3A_5 : vector<16xf32> to vector<16xf32>
    tpu.vector_store %arg7[%swap3A_25], %swap3A_28 {strides = array<i32>} : memref<1088xf32, #tpu.memory_space<vmem>>, vector<16xf32>,
    %swap3A_29 = arith.constant 96 : index
    %swap3A_30 = tpu.vector_load %arg7[%swap3A_29] {strides = array<i32>} : memref<1088xf32, #tpu.memory_space<vmem>>, vector<16xf32>,
    %swap3A_31 = vector.shape_cast %swap3A_30 : vector<16xf32> to vector<16xf32>
    %swap3A_32 = vector.shape_cast %broadcast_in_dim3A_5 : vector<16xf32> to vector<16xf32>
    tpu.vector_store %arg7[%swap3A_29], %swap3A_32 {strides = array<i32>} : memref<1088xf32, #tpu.memory_space<vmem>>, vector<16xf32>,
    %swap3A_33 = arith.constant 112 : index
    %swap3A_34 = tpu.vector_load %arg7[%swap3A_33] {strides = array<i32>} : memref<1088xf32, #tpu.memory_space<vmem>>, vector<16xf32>,
    %swap3A_35 = vector.shape_cast %swap3A_34 : vector<16xf32> to vector<16xf32>
    %swap3A_36 = vector.shape_cast %broadcast_in_dim3A_5 : vector<16xf32> to vector<16xf32>
    tpu.vector_store %arg7[%swap3A_33], %swap3A_36 {strides = array<i32>} : memref<1088xf32, #tpu.memory_space<vmem>>, vector<16xf32>,
    %swap3A_37 = arith.constant 128 : index
    %swap3A_38 = tpu.vector_load %arg7[%swap3A_37] {strides = array<i32>} : memref<1088xf32, #tpu.memory_space<vmem>>, vector<16xf32>,
    %swap3A_39 = vector.shape_cast %swap3A_38 : vector<16xf32> to vector<16xf32>
    %swap3A_40 = vector.shape_cast %broadcast_in_dim3A_5 : vector<16xf32> to vector<16xf32>
    tpu.vector_store %arg7[%swap3A_37], %swap3A_40 {strides = array<i32>} : memref<1088xf32, #tpu.memory_space<vmem>>, vector<16xf32>,
    %swap3A_41 = arith.constant 144 : index
    %swap3A_42 = tpu.vector_load %arg7[%swap3A_41] {strides = array<i32>} : memref<1088xf32, #tpu.memory_space<vmem>>, vector<16xf32>,
    %swap3A_43 = vector.shape_cast %swap3A_42 : vector<16xf32> to vector<16xf32>
    %swap3A_44 = vector.shape_cast %broadcast_in_dim3A_5 : vector<16xf32> to vector<16xf32>
    tpu.vector_store %arg7[%swap3A_41], %swap3A_44 {strides = array<i32>} : memref<1088xf32, #tpu.memory_space<vmem>>, vector<16xf32>,
    %swap3A_45 = arith.constant 160 : index
    %swap3A_46 = tpu.vector_load %arg7[%swap3A_45] {strides = array<i32>} : memref<1088xf32, #tpu.memory_space<vmem>>, vector<16xf32>,
    %swap3A_47 = vector.shape_cast %swap3A_46 : vector<16xf32> to vector<16xf32>
    %swap3A_48 = vector.shape_cast %broadcast_in_dim3A_5 : vector<16xf32> to vector<16xf32>
    tpu.vector_store %arg7[%swap3A_45], %swap3A_48 {strides = array<i32>} : memref<1088xf32, #tpu.memory_space<vmem>>, vector<16xf32>,
    %swap3A_49 = arith.constant 176 : index
    %swap3A_50 = tpu.vector_load %arg7[%swap3A_49] {strides = array<i32>} : memref<1088xf32, #tpu.memory_space<vmem>>, vector<16xf32>,
    %swap3A_51 = vector.shape_cast %swap3A_50 : vector<16xf32> to vector<16xf32>
    %swap3A_52 = vector.shape_cast %broadcast_in_dim3A_5 : vector<16xf32> to vector<16xf32>
    tpu.vector_store %arg7[%swap3A_49], %swap3A_52 {strides = array<i32>} : memref<1088xf32, #tpu.memory_space<vmem>>, vector<16xf32>,
    %swap3A_53 = arith.constant 192 : index
    %swap3A_54 = tpu.vector_load %arg7[%swap3A_53] {strides = array<i32>} : memref<1088xf32, #tpu.memory_space<vmem>>, vector<16xf32>,
    %swap3A_55 = vector.shape_cast %swap3A_54 : vector<16xf32> to vector<16xf32>
    %swap3A_56 = vector.shape_cast %broadcast_in_dim3A_5 : vector<16xf32> to vector<16xf32>
    tpu.vector_store %arg7[%swap3A_53], %swap3A_56 {strides = array<i32>} : memref<1088xf32, #tpu.memory_space<vmem>>, vector<16xf32>,
    %swap3A_57 = arith.constant 208 : index
    %swap3A_58 = tpu.vector_load %arg7[%swap3A_57] {strides = array<i32>} : memref<1088xf32, #tpu.memory_space<vmem>>, vector<16xf32>,
    %swap3A_59 = vector.shape_cast %swap3A_58 : vector<16xf32> to vector<16xf32>
    %swap3A_60 = vector.shape_cast %broadcast_in_dim3A_5 : vector<16xf32> to vector<16xf32>
    tpu.vector_store %arg7[%swap3A_57], %swap3A_60 {strides = array<i32>} : memref<1088xf32, #tpu.memory_space<vmem>>, vector<16xf32>,
    %swap3A_61 = arith.constant 224 : index
    %swap3A_62 = tpu.vector_load %arg7[%swap3A_61] {strides = array<i32>} : memref<1088xf32, #tpu.memory_space<vmem>>, vector<16xf32>,
    %swap3A_63 = vector.shape_cast %swap3A_62 : vector<16xf32> to vector<16xf32>
    %swap3A_64 = vector.shape_cast %broadcast_in_dim3A_5 : vector<16xf32> to vector<16xf32>
    tpu.vector_store %arg7[%swap3A_61], %swap3A_64 {strides = array<i32>} : memref<1088xf32, #tpu.memory_space<vmem>>, vector<16xf32>,
    %swap3A_65 = arith.constant 240 : index
    %swap3A_66 = tpu.vector_load %arg7[%swap3A_65] {strides = array<i32>} : memref<1088xf32, #tpu.memory_space<vmem>>, vector<16xf32>,
    %swap3A_67 = vector.shape_cast %swap3A_66 : vector<16xf32> to vector<16xf32>
    %swap3A_68 = vector.shape_cast %broadcast_in_dim3A_5 : vector<16xf32> to vector<16xf32>
    tpu.vector_store %arg7[%swap3A_65], %swap3A_68 {strides = array<i32>} : memref<1088xf32, #tpu.memory_space<vmem>>, vector<16xf32>,
    %swap3A_69 = arith.constant 256 : index
    %swap3A_70 = tpu.vector_load %arg7[%swap3A_69] {strides = array<i32>} : memref<1088xf32, #tpu.memory_space<vmem>>, vector<16xf32>,
    %swap3A_71 = vector.shape_cast %swap3A_70 : vector<16xf32> to vector<16xf32>
    %swap3A_72 = vector.shape_cast %broadcast_in_dim3A_5 : vector<16xf32> to vector<16xf32>
    tpu.vector_store %arg7[%swap3A_69], %swap3A_72 {strides = array<i32>} : memref<1088xf32, #tpu.memory_space<vmem>>, vector<16xf32>,
    %swap3A_73 = arith.constant 272 : index
    %swap3A_74 = tpu.vector_load %arg7[%swap3A_73] {strides = array<i32>} : memref<1088xf32, #tpu.memory_space<vmem>>, vector<16xf32>,
    %swap3A_75 = vector.shape_cast %swap3A_74 : vector<16xf32> to vector<16xf32>
    %swap3A_76 = vector.shape_cast %broadcast_in_dim3A_5 : vector<16xf32> to vector<16xf32>
    tpu.vector_store %arg7[%swap3A_73], %swap3A_76 {strides = array<i32>} : memref<1088xf32, #tpu.memory_space<vmem>>, vector<16xf32>,
    %swap3A_77 = arith.constant 288 : index
    %swap3A_78 = tpu.vector_load %arg7[%swap3A_77] {strides = array<i32>} : memref<1088xf32, #tpu.memory_space<vmem>>, vector<16xf32>,
    %swap3A_79 = vector.shape_cast %swap3A_78 : vector<16xf32> to vector<16xf32>
    %swap3A_80 = vector.shape_cast %broadcast_in_dim3A_5 : vector<16xf32> to vector<16xf32>
    tpu.vector_store %arg7[%swap3A_77], %swap3A_80 {strides = array<i32>} : memref<1088xf32, #tpu.memory_space<vmem>>, vector<16xf32>,
    %swap3A_81 = arith.constant 304 : index
    %swap3A_82 = tpu.vector_load %arg7[%swap3A_81] {strides = array<i32>} : memref<1088xf32, #tpu.memory_space<vmem>>, vector<16xf32>,
    %swap3A_83 = vector.shape_cast %swap3A_82 : vector<16xf32> to vector<16xf32>
    %swap3A_84 = vector.shape_cast %broadcast_in_dim3A_5 : vector<16xf32> to vector<16xf32>
    tpu.vector_store %arg7[%swap3A_81], %swap3A_84 {strides = array<i32>} : memref<1088xf32, #tpu.memory_space<vmem>>, vector<16xf32>,
    %swap3A_85 = arith.constant 320 : index
    %swap3A_86 = tpu.vector_load %arg7[%swap3A_85] {strides = array<i32>} : memref<1088xf32, #tpu.memory_space<vmem>>, vector<16xf32>,
    %swap3A_87 = vector.shape_cast %swap3A_86 : vector<16xf32> to vector<16xf32>
    %swap3A_88 = vector.shape_cast %broadcast_in_dim3A_5 : vector<16xf32> to vector<16xf32>
    tpu.vector_store %arg7[%swap3A_85], %swap3A_88 {strides = array<i32>} : memref<1088xf32, #tpu.memory_space<vmem>>, vector<16xf32>,
    %swap3A_89 = arith.constant 336 : index
    %swap3A_90 = tpu.vector_load %arg7[%swap3A_89] {strides = array<i32>} : memref<1088xf32, #tpu.memory_space<vmem>>, vector<16xf32>,
    %swap3A_91 = vector.shape_cast %swap3A_90 : vector<16xf32> to vector<16xf32>
    %swap3A_92 = vector.shape_cast %broadcast_in_dim3A_5 : vector<16xf32> to vector<16xf32>
    tpu.vector_store %arg7[%swap3A_89], %swap3A_92 {strides = array<i32>} : memref<1088xf32, #tpu.memory_space<vmem>>, vector<16xf32>,
    %swap3A_93 = arith.constant 352 : index
    %swap3A_94 = tpu.vector_load %arg7[%swap3A_93] {strides = array<i32>} : memref<1088xf32, #tpu.memory_space<vmem>>, vector<16xf32>,
    %swap3A_95 = vector.shape_cast %swap3A_94 : vector<16xf32> to vector<16xf32>
    %swap3A_96 = vector.shape_cast %broadcast_in_dim3A_5 : vector<16xf32> to vector<16xf32>
    tpu.vector_store %arg7[%swap3A_93], %swap3A_96 {strides = array<i32>} : memref<1088xf32, #tpu.memory_space<vmem>>, vector<16xf32>,
    %swap3A_97 = arith.constant 368 : index
    %swap3A_98 = tpu.vector_load %arg7[%swap3A_97] {strides = array<i32>} : memref<1088xf32, #tpu.memory_space<vmem>>, vector<16xf32>,
    %swap3A_99 = vector.shape_cast %swap3A_98 : vector<16xf32> to vector<16xf32>
    %swap3A_100 = vector.shape_cast %broadcast_in_dim3A_5 : vector<16xf32> to vector<16xf32>
    tpu.vector_store %arg7[%swap3A_97], %swap3A_100 {strides = array<i32>} : memref<1088xf32, #tpu.memory_space<vmem>>, vector<16xf32>,
    %swap3A_101 = arith.constant 384 : index
    %swap3A_102 = tpu.vector_load %arg7[%swap3A_101] {strides = array<i32>} : memref<1088xf32, #tpu.memory_space<vmem>>, vector<16xf32>,
    %swap3A_103 = vector.shape_cast %swap3A_102 : vector<16xf32> to vector<16xf32>
    %swap3A_104 = vector.shape_cast %broadcast_in_dim3A_5 : vector<16xf32> to vector<16xf32>
    tpu.vector_store %arg7[%swap3A_101], %swap3A_104 {strides = array<i32>} : memref<1088xf32, #tpu.memory_space<vmem>>, vector<16xf32>,
    %swap3A_105 = arith.constant 400 : index
    %swap3A_106 = tpu.vector_load %arg7[%swap3A_105] {strides = array<i32>} : memref<1088xf32, #tpu.memory_space<vmem>>, vector<16xf32>,
    %swap3A_107 = vector.shape_cast %swap3A_106 : vector<16xf32> to vector<16xf32>
    %swap3A_108 = vector.shape_cast %broadcast_in_dim3A_5 : vector<16xf32> to vector<16xf32>
    tpu.vector_store %arg7[%swap3A_105], %swap3A_108 {strides = array<i32>} : memref<1088xf32, #tpu.memory_space<vmem>>, vector<16xf32>,
    %swap3A_109 = arith.constant 416 : index
    %swap3A_110 = tpu.vector_load %arg7[%swap3A_109] {strides = array<i32>} : memref<1088xf32, #tpu.memory_space<vmem>>, vector<16xf32>,
    %swap3A_111 = vector.shape_cast %swap3A_110 : vector<16xf32> to vector<16xf32>
    %swap3A_112 = vector.shape_cast %broadcast_in_dim3A_5 : vector<16xf32> to vector<16xf32>
    tpu.vector_store %arg7[%swap3A_109], %swap3A_112 {strides = array<i32>} : memref<1088xf32, #tpu.memory_space<vmem>>, vector<16xf32>,
    %swap3A_113 = arith.constant 432 : index
    %swap3A_114 = tpu.vector_load %arg7[%swap3A_113] {strides = array<i32>} : memref<1088xf32, #tpu.memory_space<vmem>>, vector<16xf32>,
    %swap3A_115 = vector.shape_cast %swap3A_114 : vector<16xf32> to vector<16xf32>
    %swap3A_116 = vector.shape_cast %broadcast_in_dim3A_5 : vector<16xf32> to vector<16xf32>
    tpu.vector_store %arg7[%swap3A_113], %swap3A_116 {strides = array<i32>} : memref<1088xf32, #tpu.memory_space<vmem>>, vector<16xf32>,
    %swap3A_117 = arith.constant 448 : index
    %swap3A_118 = tpu.vector_load %arg7[%swap3A_117] {strides = array<i32>} : memref<1088xf32, #tpu.memory_space<vmem>>, vector<16xf32>,
    %swap3A_119 = vector.shape_cast %swap3A_118 : vector<16xf32> to vector<16xf32>
    %swap3A_120 = vector.shape_cast %broadcast_in_dim3A_5 : vector<16xf32> to vector<16xf32>
    tpu.vector_store %arg7[%swap3A_117], %swap3A_120 {strides = array<i32>} : memref<1088xf32, #tpu.memory_space<vmem>>, vector<16xf32>,
    %swap3A_121 = arith.constant 464 : index
    %swap3A_122 = tpu.vector_load %arg7[%swap3A_121] {strides = array<i32>} : memref<1088xf32, #tpu.memory_space<vmem>>, vector<16xf32>,
    %swap3A_123 = vector.shape_cast %swap3A_122 : vector<16xf32> to vector<16xf32>
    %swap3A_124 = vector.shape_cast %broadcast_in_dim3A_5 : vector<16xf32> to vector<16xf32>
    tpu.vector_store %arg7[%swap3A_121], %swap3A_124 {strides = array<i32>} : memref<1088xf32, #tpu.memory_space<vmem>>, vector<16xf32>,
    %swap3A_125 = arith.constant 480 : index
    %swap3A_126 = tpu.vector_load %arg7[%swap3A_125] {strides = array<i32>} : memref<1088xf32, #tpu.memory_space<vmem>>, vector<16xf32>,
    %swap3A_127 = vector.shape_cast %swap3A_126 : vector<16xf32> to vector<16xf32>
    %swap3A_128 = vector.shape_cast %broadcast_in_dim3A_5 : vector<16xf32> to vector<16xf32>
    tpu.vector_store %arg7[%swap3A_125], %swap3A_128 {strides = array<i32>} : memref<1088xf32, #tpu.memory_space<vmem>>, vector<16xf32>,
    %swap3A_129 = arith.constant 496 : index
    %swap3A_130 = tpu.vector_load %arg7[%swap3A_129] {strides = array<i32>} : memref<1088xf32, #tpu.memory_space<vmem>>, vector<16xf32>,
    %swap3A_131 = vector.shape_cast %swap3A_130 : vector<16xf32> to vector<16xf32>
    %swap3A_132 = vector.shape_cast %broadcast_in_dim3A_5 : vector<16xf32> to vector<16xf32>
    tpu.vector_store %arg7[%swap3A_129], %swap3A_132 {strides = array<i32>} : memref<1088xf32, #tpu.memory_space<vmem>>, vector<16xf32>,
    %swap3A_133 = arith.constant 512 : index
    %swap3A_134 = tpu.vector_load %arg7[%swap3A_133] {strides = array<i32>} : memref<1088xf32, #tpu.memory_space<vmem>>, vector<16xf32>,
    %swap3A_135 = vector.shape_cast %swap3A_134 : vector<16xf32> to vector<16xf32>
    %swap3A_136 = vector.shape_cast %broadcast_in_dim3A_5 : vector<16xf32> to vector<16xf32>
    tpu.vector_store %arg7[%swap3A_133], %swap3A_136 {strides = array<i32>} : memref<1088xf32, #tpu.memory_space<vmem>>, vector<16xf32>,
    %swap3A_137 = arith.constant 528 : index
    %swap3A_138 = tpu.vector_load %arg7[%swap3A_137] {strides = array<i32>} : memref<1088xf32, #tpu.memory_space<vmem>>, vector<16xf32>,
    %swap3A_139 = vector.shape_cast %swap3A_138 : vector<16xf32> to vector<16xf32>
    %swap3A_140 = vector.shape_cast %broadcast_in_dim3A_5 : vector<16xf32> to vector<16xf32>
    tpu.vector_store %arg7[%swap3A_137], %swap3A_140 {strides = array<i32>} : memref<1088xf32, #tpu.memory_space<vmem>>, vector<16xf32>,
    %swap3A_141 = arith.constant 544 : index
    %swap3A_142 = tpu.vector_load %arg7[%swap3A_141] {strides = array<i32>} : memref<1088xf32, #tpu.memory_space<vmem>>, vector<16xf32>,
    %swap3A_143 = vector.shape_cast %swap3A_142 : vector<16xf32> to vector<16xf32>
    %swap3A_144 = vector.shape_cast %broadcast_in_dim3A_5 : vector<16xf32> to vector<16xf32>
    tpu.vector_store %arg7[%swap3A_141], %swap3A_144 {strides = array<i32>} : memref<1088xf32, #tpu.memory_space<vmem>>, vector<16xf32>,
    %swap3A_145 = arith.constant 560 : index
    %swap3A_146 = tpu.vector_load %arg7[%swap3A_145] {strides = array<i32>} : memref<1088xf32, #tpu.memory_space<vmem>>, vector<16xf32>,
    %swap3A_147 = vector.shape_cast %swap3A_146 : vector<16xf32> to vector<16xf32>
    %swap3A_148 = vector.shape_cast %broadcast_in_dim3A_5 : vector<16xf32> to vector<16xf32>
    tpu.vector_store %arg7[%swap3A_145], %swap3A_148 {strides = array<i32>} : memref<1088xf32, #tpu.memory_space<vmem>>, vector<16xf32>,
    %swap3A_149 = arith.constant 576 : index
    %swap3A_150 = tpu.vector_load %arg7[%swap3A_149] {strides = array<i32>} : memref<1088xf32, #tpu.memory_space<vmem>>, vector<16xf32>,
    %swap3A_151 = vector.shape_cast %swap3A_150 : vector<16xf32> to vector<16xf32>
    %swap3A_152 = vector.shape_cast %broadcast_in_dim3A_5 : vector<16xf32> to vector<16xf32>
    tpu.vector_store %arg7[%swap3A_149], %swap3A_152 {strides = array<i32>} : memref<1088xf32, #tpu.memory_space<vmem>>, vector<16xf32>,
    %swap3A_153 = arith.constant 592 : index
    %swap3A_154 = tpu.vector_load %arg7[%swap3A_153] {strides = array<i32>} : memref<1088xf32, #tpu.memory_space<vmem>>, vector<16xf32>,
    %swap3A_155 = vector.shape_cast %swap3A_154 : vector<16xf32> to vector<16xf32>
    %swap3A_156 = vector.shape_cast %broadcast_in_dim3A_5 : vector<16xf32> to vector<16xf32>
    tpu.vector_store %arg7[%swap3A_153], %swap3A_156 {strides = array<i32>} : memref<1088xf32, #tpu.memory_space<vmem>>, vector<16xf32>,
    %swap3A_157 = arith.constant 608 : index
    %swap3A_158 = tpu.vector_load %arg7[%swap3A_157] {strides = array<i32>} : memref<1088xf32, #tpu.memory_space<vmem>>, vector<16xf32>,
    %swap3A_159 = vector.shape_cast %swap3A_158 : vector<16xf32> to vector<16xf32>
    %swap3A_160 = vector.shape_cast %broadcast_in_dim3A_5 : vector<16xf32> to vector<16xf32>
    tpu.vector_store %arg7[%swap3A_157], %swap3A_160 {strides = array<i32>} : memref<1088xf32, #tpu.memory_space<vmem>>, vector<16xf32>,
    %swap3A_161 = arith.constant 624 : index
    %swap3A_162 = tpu.vector_load %arg7[%swap3A_161] {strides = array<i32>} : memref<1088xf32, #tpu.memory_space<vmem>>, vector<16xf32>,
    %swap3A_163 = vector.shape_cast %swap3A_162 : vector<16xf32> to vector<16xf32>
    %swap3A_164 = vector.shape_cast %broadcast_in_dim3A_5 : vector<16xf32> to vector<16xf32>
    tpu.vector_store %arg7[%swap3A_161], %swap3A_164 {strides = array<i32>} : memref<1088xf32, #tpu.memory_space<vmem>>, vector<16xf32>,
    %swap3A_165 = arith.constant 640 : index
    %swap3A_166 = tpu.vector_load %arg7[%swap3A_165] {strides = array<i32>} : memref<1088xf32, #tpu.memory_space<vmem>>, vector<16xf32>,
    %swap3A_167 = vector.shape_cast %swap3A_166 : vector<16xf32> to vector<16xf32>
    %swap3A_168 = vector.shape_cast %broadcast_in_dim3A_5 : vector<16xf32> to vector<16xf32>
    tpu.vector_store %arg7[%swap3A_165], %swap3A_168 {strides = array<i32>} : memref<1088xf32, #tpu.memory_space<vmem>>, vector<16xf32>,
    %swap3A_169 = arith.constant 656 : index
    %swap3A_170 = tpu.vector_load %arg7[%swap3A_169] {strides = array<i32>} : memref<1088xf32, #tpu.memory_space<vmem>>, vector<16xf32>,
    %swap3A_171 = vector.shape_cast %swap3A_170 : vector<16xf32> to vector<16xf32>
    %swap3A_172 = vector.shape_cast %broadcast_in_dim3A_5 : vector<16xf32> to vector<16xf32>
    tpu.vector_store %arg7[%swap3A_169], %swap3A_172 {strides = array<i32>} : memref<1088xf32, #tpu.memory_space<vmem>>, vector<16xf32>,
    %swap3A_173 = arith.constant 672 : index
    %swap3A_174 = tpu.vector_load %arg7[%swap3A_173] {strides = array<i32>} : memref<1088xf32, #tpu.memory_space<vmem>>, vector<16xf32>,
    %swap3A_175 = vector.shape_cast %swap3A_174 : vector<16xf32> to vector<16xf32>
    %swap3A_176 = vector.shape_cast %broadcast_in_dim3A_5 : vector<16xf32> to vector<16xf32>
    tpu.vector_store %arg7[%swap3A_173], %swap3A_176 {strides = array<i32>} : memref<1088xf32, #tpu.memory_space<vmem>>, vector<16xf32>,
    %swap3A_177 = arith.constant 688 : index
    %swap3A_178 = tpu.vector_load %arg7[%swap3A_177] {strides = array<i32>} : memref<1088xf32, #tpu.memory_space<vmem>>, vector<16xf32>,
    %swap3A_179 = vector.shape_cast %swap3A_178 : vector<16xf32> to vector<16xf32>
    %swap3A_180 = vector.shape_cast %broadcast_in_dim3A_5 : vector<16xf32> to vector<16xf32>
    tpu.vector_store %arg7[%swap3A_177], %swap3A_180 {strides = array<i32>} : memref<1088xf32, #tpu.memory_space<vmem>>, vector<16xf32>,
    %swap3A_181 = arith.constant 704 : index
    %swap3A_182 = tpu.vector_load %arg7[%swap3A_181] {strides = array<i32>} : memref<1088xf32, #tpu.memory_space<vmem>>, vector<16xf32>,
    %swap3A_183 = vector.shape_cast %swap3A_182 : vector<16xf32> to vector<16xf32>
    %swap3A_184 = vector.shape_cast %broadcast_in_dim3A_5 : vector<16xf32> to vector<16xf32>
    tpu.vector_store %arg7[%swap3A_181], %swap3A_184 {strides = array<i32>} : memref<1088xf32, #tpu.memory_space<vmem>>, vector<16xf32>,
    %swap3A_185 = arith.constant 720 : index
    %swap3A_186 = tpu.vector_load %arg7[%swap3A_185] {strides = array<i32>} : memref<1088xf32, #tpu.memory_space<vmem>>, vector<16xf32>,
    %swap3A_187 = vector.shape_cast %swap3A_186 : vector<16xf32> to vector<16xf32>
    %swap3A_188 = vector.shape_cast %broadcast_in_dim3A_5 : vector<16xf32> to vector<16xf32>
    tpu.vector_store %arg7[%swap3A_185], %swap3A_188 {strides = array<i32>} : memref<1088xf32, #tpu.memory_space<vmem>>, vector<16xf32>,
    %swap3A_189 = arith.constant 736 : index
    %swap3A_190 = tpu.vector_load %arg7[%swap3A_189] {strides = array<i32>} : memref<1088xf32, #tpu.memory_space<vmem>>, vector<16xf32>,
    %swap3A_191 = vector.shape_cast %swap3A_190 : vector<16xf32> to vector<16xf32>
    %swap3A_192 = vector.shape_cast %broadcast_in_dim3A_5 : vector<16xf32> to vector<16xf32>
    tpu.vector_store %arg7[%swap3A_189], %swap3A_192 {strides = array<i32>} : memref<1088xf32, #tpu.memory_space<vmem>>, vector<16xf32>,
    %swap3A_193 = arith.constant 752 : index
    %swap3A_194 = tpu.vector_load %arg7[%swap3A_193] {strides = array<i32>} : memref<1088xf32, #tpu.memory_space<vmem>>, vector<16xf32>,
    %swap3A_195 = vector.shape_cast %swap3A_194 : vector<16xf32> to vector<16xf32>
    %swap3A_196 = vector.shape_cast %broadcast_in_dim3A_5 : vector<16xf32> to vector<16xf32>
    tpu.vector_store %arg7[%swap3A_193], %swap3A_196 {strides = array<i32>} : memref<1088xf32, #tpu.memory_space<vmem>>, vector<16xf32>,
    %swap3A_197 = arith.constant 768 : index
    %swap3A_198 = tpu.vector_load %arg7[%swap3A_197] {strides = array<i32>} : memref<1088xf32, #tpu.memory_space<vmem>>, vector<16xf32>,
    %swap3A_199 = vector.shape_cast %swap3A_198 : vector<16xf32> to vector<16xf32>
    %swap3A_200 = vector.shape_cast %broadcast_in_dim3A_5 : vector<16xf32> to vector<16xf32>
    tpu.vector_store %arg7[%swap3A_197], %swap3A_200 {strides = array<i32>} : memref<1088xf32, #tpu.memory_space<vmem>>, vector<16xf32>,
    %swap3A_201 = arith.constant 784 : index
    %swap3A_202 = tpu.vector_load %arg7[%swap3A_201] {strides = array<i32>} : memref<1088xf32, #tpu.memory_space<vmem>>, vector<16xf32>,
    %swap3A_203 = vector.shape_cast %swap3A_202 : vector<16xf32> to vector<16xf32>
    %swap3A_204 = vector.shape_cast %broadcast_in_dim3A_5 : vector<16xf32> to vector<16xf32>
    tpu.vector_store %arg7[%swap3A_201], %swap3A_204 {strides = array<i32>} : memref<1088xf32, #tpu.memory_space<vmem>>, vector<16xf32>,
    %swap3A_205 = arith.constant 800 : index
    %swap3A_206 = tpu.vector_load %arg7[%swap3A_205] {strides = array<i32>} : memref<1088xf32, #tpu.memory_space<vmem>>, vector<16xf32>,
    %swap3A_207 = vector.shape_cast %swap3A_206 : vector<16xf32> to vector<16xf32>
    %swap3A_208 = vector.shape_cast %broadcast_in_dim3A_5 : vector<16xf32> to vector<16xf32>
    tpu.vector_store %arg7[%swap3A_205], %swap3A_208 {strides = array<i32>} : memref<1088xf32, #tpu.memory_space<vmem>>, vector<16xf32>,
    %swap3A_209 = arith.constant 816 : index
    %swap3A_210 = tpu.vector_load %arg7[%swap3A_209] {strides = array<i32>} : memref<1088xf32, #tpu.memory_space<vmem>>, vector<16xf32>,
    %swap3A_211 = vector.shape_cast %swap3A_210 : vector<16xf32> to vector<16xf32>
    %swap3A_212 = vector.shape_cast %broadcast_in_dim3A_5 : vector<16xf32> to vector<16xf32>
    tpu.vector_store %arg7[%swap3A_209], %swap3A_212 {strides = array<i32>} : memref<1088xf32, #tpu.memory_space<vmem>>, vector<16xf32>,
    %swap3A_213 = arith.constant 832 : index
    %swap3A_214 = tpu.vector_load %arg7[%swap3A_213] {strides = array<i32>} : memref<1088xf32, #tpu.memory_space<vmem>>, vector<16xf32>,
    %swap3A_215 = vector.shape_cast %swap3A_214 : vector<16xf32> to vector<16xf32>
    %swap3A_216 = vector.shape_cast %broadcast_in_dim3A_5 : vector<16xf32> to vector<16xf32>
    tpu.vector_store %arg7[%swap3A_213], %swap3A_216 {strides = array<i32>} : memref<1088xf32, #tpu.memory_space<vmem>>, vector<16xf32>,
    %swap3A_217 = arith.constant 848 : index
    %swap3A_218 = tpu.vector_load %arg7[%swap3A_217] {strides = array<i32>} : memref<1088xf32, #tpu.memory_space<vmem>>, vector<16xf32>,
    %swap3A_219 = vector.shape_cast %swap3A_218 : vector<16xf32> to vector<16xf32>
    %swap3A_220 = vector.shape_cast %broadcast_in_dim3A_5 : vector<16xf32> to vector<16xf32>
    tpu.vector_store %arg7[%swap3A_217], %swap3A_220 {strides = array<i32>} : memref<1088xf32, #tpu.memory_space<vmem>>, vector<16xf32>,
    %swap3A_221 = arith.constant 864 : index
    %swap3A_222 = tpu.vector_load %arg7[%swap3A_221] {strides = array<i32>} : memref<1088xf32, #tpu.memory_space<vmem>>, vector<16xf32>,
    %swap3A_223 = vector.shape_cast %swap3A_222 : vector<16xf32> to vector<16xf32>
    %swap3A_224 = vector.shape_cast %broadcast_in_dim3A_5 : vector<16xf32> to vector<16xf32>
    tpu.vector_store %arg7[%swap3A_221], %swap3A_224 {strides = array<i32>} : memref<1088xf32, #tpu.memory_space<vmem>>, vector<16xf32>,
    %swap3A_225 = arith.constant 880 : index
    %swap3A_226 = tpu.vector_load %arg7[%swap3A_225] {strides = array<i32>} : memref<1088xf32, #tpu.memory_space<vmem>>, vector<16xf32>,
    %swap3A_227 = vector.shape_cast %swap3A_226 : vector<16xf32> to vector<16xf32>
    %swap3A_228 = vector.shape_cast %broadcast_in_dim3A_5 : vector<16xf32> to vector<16xf32>
    tpu.vector_store %arg7[%swap3A_225], %swap3A_228 {strides = array<i32>} : memref<1088xf32, #tpu.memory_space<vmem>>, vector<16xf32>,
    %swap3A_229 = arith.constant 896 : index
    %swap3A_230 = tpu.vector_load %arg7[%swap3A_229] {strides = array<i32>} : memref<1088xf32, #tpu.memory_space<vmem>>, vector<16xf32>,
    %swap3A_231 = vector.shape_cast %swap3A_230 : vector<16xf32> to vector<16xf32>
    %swap3A_232 = vector.shape_cast %broadcast_in_dim3A_5 : vector<16xf32> to vector<16xf32>
    tpu.vector_store %arg7[%swap3A_229], %swap3A_232 {strides = array<i32>} : memref<1088xf32, #tpu.memory_space<vmem>>, vector<16xf32>,
    %swap3A_233 = arith.constant 912 : index
    %swap3A_234 = tpu.vector_load %arg7[%swap3A_233] {strides = array<i32>} : memref<1088xf32, #tpu.memory_space<vmem>>, vector<16xf32>,
    %swap3A_235 = vector.shape_cast %swap3A_234 : vector<16xf32> to vector<16xf32>
    %swap3A_236 = vector.shape_cast %broadcast_in_dim3A_5 : vector<16xf32> to vector<16xf32>
    tpu.vector_store %arg7[%swap3A_233], %swap3A_236 {strides = array<i32>} : memref<1088xf32, #tpu.memory_space<vmem>>, vector<16xf32>,
    %swap3A_237 = arith.constant 928 : index
    %swap3A_238 = tpu.vector_load %arg7[%swap3A_237] {strides = array<i32>} : memref<1088xf32, #tpu.memory_space<vmem>>, vector<16xf32>,
    %swap3A_239 = vector.shape_cast %swap3A_238 : vector<16xf32> to vector<16xf32>
    %swap3A_240 = vector.shape_cast %broadcast_in_dim3A_5 : vector<16xf32> to vector<16xf32>
    tpu.vector_store %arg7[%swap3A_237], %swap3A_240 {strides = array<i32>} : memref<1088xf32, #tpu.memory_space<vmem>>, vector<16xf32>,
    %swap3A_241 = arith.constant 944 : index
    %swap3A_242 = tpu.vector_load %arg7[%swap3A_241] {strides = array<i32>} : memref<1088xf32, #tpu.memory_space<vmem>>, vector<16xf32>,
    %swap3A_243 = vector.shape_cast %swap3A_242 : vector<16xf32> to vector<16xf32>
    %swap3A_244 = vector.shape_cast %broadcast_in_dim3A_5 : vector<16xf32> to vector<16xf32>
    tpu.vector_store %arg7[%swap3A_241], %swap3A_244 {strides = array<i32>} : memref<1088xf32, #tpu.memory_space<vmem>>, vector<16xf32>,
    %swap3A_245 = arith.constant 960 : index
    %swap3A_246 = tpu.vector_load %arg7[%swap3A_245] {strides = array<i32>} : memref<1088xf32, #tpu.memory_space<vmem>>, vector<16xf32>,
    %swap3A_247 = vector.shape_cast %swap3A_246 : vector<16xf32> to vector<16xf32>
    %swap3A_248 = vector.shape_cast %broadcast_in_dim3A_5 : vector<16xf32> to vector<16xf32>
    tpu.vector_store %arg7[%swap3A_245], %swap3A_248 {strides = array<i32>} : memref<1088xf32, #tpu.memory_space<vmem>>, vector<16xf32>,
    %swap3A_249 = arith.constant 976 : index
    %swap3A_250 = tpu.vector_load %arg7[%swap3A_249] {strides = array<i32>} : memref<1088xf32, #tpu.memory_space<vmem>>, vector<16xf32>,
    %swap3A_251 = vector.shape_cast %swap3A_250 : vector<16xf32> to vector<16xf32>
    %swap3A_252 = vector.shape_cast %broadcast_in_dim3A_5 : vector<16xf32> to vector<16xf32>
    tpu.vector_store %arg7[%swap3A_249], %swap3A_252 {strides = array<i32>} : memref<1088xf32, #tpu.memory_space<vmem>>, vector<16xf32>,
    %swap3A_253 = arith.constant 992 : index
    %swap3A_254 = tpu.vector_load %arg7[%swap3A_253] {strides = array<i32>} : memref<1088xf32, #tpu.memory_space<vmem>>, vector<16xf32>,
    %swap3A_255 = vector.shape_cast %swap3A_254 : vector<16xf32> to vector<16xf32>
    %swap3A_256 = vector.shape_cast %broadcast_in_dim3A_5 : vector<16xf32> to vector<16xf32>
    tpu.vector_store %arg7[%swap3A_253], %swap3A_256 {strides = array<i32>} : memref<1088xf32, #tpu.memory_space<vmem>>, vector<16xf32>,
    %swap3A_257 = arith.constant 1008 : index
    %swap3A_258 = tpu.vector_load %arg7[%swap3A_257] {strides = array<i32>} : memref<1088xf32, #tpu.memory_space<vmem>>, vector<16xf32>,
    %swap3A_259 = vector.shape_cast %swap3A_258 : vector<16xf32> to vector<16xf32>
    %swap3A_260 = vector.shape_cast %broadcast_in_dim3A_5 : vector<16xf32> to vector<16xf32>
    tpu.vector_store %arg7[%swap3A_257], %swap3A_260 {strides = array<i32>} : memref<1088xf32, #tpu.memory_space<vmem>>, vector<16xf32>,
    %swap3A_261 = arith.constant 1024 : index
    %swap3A_262 = tpu.vector_load %arg7[%swap3A_261] {strides = array<i32>} : memref<1088xf32, #tpu.memory_space<vmem>>, vector<16xf32>,
    %swap3A_263 = vector.shape_cast %swap3A_262 : vector<16xf32> to vector<16xf32>
    %swap3A_264 = vector.shape_cast %broadcast_in_dim3A_5 : vector<16xf32> to vector<16xf32>
    tpu.vector_store %arg7[%swap3A_261], %swap3A_264 {strides = array<i32>} : memref<1088xf32, #tpu.memory_space<vmem>>, vector<16xf32>,
    %swap3A_265 = arith.constant 1040 : index
    %swap3A_266 = tpu.vector_load %arg7[%swap3A_265] {strides = array<i32>} : memref<1088xf32, #tpu.memory_space<vmem>>, vector<16xf32>,
    %swap3A_267 = vector.shape_cast %swap3A_266 : vector<16xf32> to vector<16xf32>
    %swap3A_268 = vector.shape_cast %broadcast_in_dim3A_5 : vector<16xf32> to vector<16xf32>
    tpu.vector_store %arg7[%swap3A_265], %swap3A_268 {strides = array<i32>} : memref<1088xf32, #tpu.memory_space<vmem>>, vector<16xf32>,
    %swap3A_269 = arith.constant 1056 : index
    %swap3A_270 = tpu.vector_load %arg7[%swap3A_269] {strides = array<i32>} : memref<1088xf32, #tpu.memory_space<vmem>>, vector<16xf32>,
    %swap3A_271 = vector.shape_cast %swap3A_270 : vector<16xf32> to vector<16xf32>
    %swap3A_272 = vector.shape_cast %broadcast_in_dim3A_5 : vector<16xf32> to vector<16xf32>
    tpu.vector_store %arg7[%swap3A_269], %swap3A_272 {strides = array<i32>} : memref<1088xf32, #tpu.memory_space<vmem>>, vector<16xf32>,
    %swap3A_273 = arith.constant 1072 : index
    %swap3A_274 = tpu.vector_load %arg7[%swap3A_273] {strides = array<i32>} : memref<1088xf32, #tpu.memory_space<vmem>>, vector<16xf32>,
    %swap3A_275 = vector.shape_cast %swap3A_274 : vector<16xf32> to vector<16xf32>
    %swap3A_276 = vector.shape_cast %broadcast_in_dim3A_5 : vector<16xf32> to vector<16xf32>
    tpu.vector_store %arg7[%swap3A_273], %swap3A_276 {strides = array<i32>} : memref<1088xf32, #tpu.memory_space<vmem>>, vector<16xf32>,
    %scan3A = arith.constant 0 : i32
    %scan3A_277 = arith.constant 0 : i32
    %scan3A_278 = arith.constant 32 : i32
    %scan3A_279 = arith.addi %scan3A_277, %scan3A_278 : i32
    %scan3A_280 = arith.constant 1 : i32
    scf.for %scan3A_282 = %scan3A_277 to %scan3A_279 step %scan3A_280  : i32 {
      %get3A = arith.index_cast %scan3A_282 : i32 to index
      %get3A_283 = tpu.vector_load %arg6[%get3A] {strides = array<i32>} : memref<48xi32, #tpu.memory_space<vmem>>, vector<16xi32>,
      %get3A_284 = vector.shape_cast %get3A_283 : vector<16xi32> to vector<16xi32>
      %slice3A = vector.extract_strided_slice %get3A_284 {offsets = [0], sizes = [1], strides = [1]} : vector<16xi32> to vector<1xi32>
      %squeeze3A = vector.extract %slice3A[0] : i32 from vector<1xi32>
      %mul3A_285 = arith.constant 64 : i32
      %mul3A_286 = arith.muli %squeeze3A, %mul3A_285 : i32
      %add3A_287 = arith.constant 0 : i32
      %add3A_288 = arith.addi %mul3A_286, %add3A_287 : i32
      %get3A_289 = arith.index_cast %add3A_288 : i32 to index
      %get3A_290 = tpu.vector_load %arg7[%get3A_289] {strides = array<i32>} : memref<1088xf32, #tpu.memory_space<vmem>>, vector<16xf32>,
      %get3A_291 = vector.shape_cast %get3A_290 : vector<16xf32> to vector<16xf32>
      %mul3A_292 = arith.constant 64 : i32
      %mul3A_293 = arith.muli %scan3A_282, %mul3A_292 : i32
      %add3A_294 = arith.constant 0 : i32
      %add3A_295 = arith.addi %mul3A_293, %add3A_294 : i32
      %get3A_296 = arith.index_cast %add3A_295 : i32 to index
      %get3A_297 = tpu.vector_load %arg5[%get3A_296] {strides = array<i32>} : memref<2048xf32, #tpu.memory_space<vmem>>, vector<16xf32>,
      %get3A_298 = vector.shape_cast %get3A_297 : vector<16xf32> to vector<16xf32>
      %add3A_299 = arith.addf %get3A_291, %get3A_298 : vector<16xf32>
      %swap3A_300 = arith.index_cast %add3A_288 : i32 to index
      %swap3A_301 = tpu.vector_load %arg7[%swap3A_300] {strides = array<i32>} : memref<1088xf32, #tpu.memory_space<vmem>>, vector<16xf32>,
      %swap3A_302 = vector.shape_cast %swap3A_301 : vector<16xf32> to vector<16xf32>
      %swap3A_303 = vector.shape_cast %add3A_299 : vector<16xf32> to vector<16xf32>
      tpu.vector_store %arg7[%swap3A_300], %swap3A_303 {strides = array<i32>} : memref<1088xf32, #tpu.memory_space<vmem>>, vector<16xf32>,
      %add3A_304 = arith.constant 16 : i32
      %add3A_305 = arith.addi %mul3A_286, %add3A_304 : i32
      %get3A_306 = arith.index_cast %add3A_305 : i32 to index
      %get3A_307 = tpu.vector_load %arg7[%get3A_306] {strides = array<i32>} : memref<1088xf32, #tpu.memory_space<vmem>>, vector<16xf32>,
      %get3A_308 = vector.shape_cast %get3A_307 : vector<16xf32> to vector<16xf32>
      %mul3A_309 = arith.constant 64 : i32
      %mul3A_310 = arith.muli %scan3A_282, %mul3A_309 : i32
      %add3A_311 = arith.constant 16 : i32
      %add3A_312 = arith.addi %mul3A_310, %add3A_311 : i32
      %get3A_313 = arith.index_cast %add3A_312 : i32 to index
      %get3A_314 = tpu.vector_load %arg5[%get3A_313] {strides = array<i32>} : memref<2048xf32, #tpu.memory_space<vmem>>, vector<16xf32>,
      %get3A_315 = vector.shape_cast %get3A_314 : vector<16xf32> to vector<16xf32>
      %add3A_316 = arith.addf %get3A_308, %get3A_315 : vector<16xf32>
      %swap3A_317 = arith.index_cast %add3A_305 : i32 to index
      %swap3A_318 = tpu.vector_load %arg7[%swap3A_317] {strides = array<i32>} : memref<1088xf32, #tpu.memory_space<vmem>>, vector<16xf32>,
      %swap3A_319 = vector.shape_cast %swap3A_318 : vector<16xf32> to vector<16xf32>
      %swap3A_320 = vector.shape_cast %add3A_316 : vector<16xf32> to vector<16xf32>
      tpu.vector_store %arg7[%swap3A_317], %swap3A_320 {strides = array<i32>} : memref<1088xf32, #tpu.memory_space<vmem>>, vector<16xf32>,
      %add3A_321 = arith.constant 32 : i32
      %add3A_322 = arith.addi %mul3A_286, %add3A_321 : i32
      %get3A_323 = arith.index_cast %add3A_322 : i32 to index
      %get3A_324 = tpu.vector_load %arg7[%get3A_323] {strides = array<i32>} : memref<1088xf32, #tpu.memory_space<vmem>>, vector<16xf32>,
      %get3A_325 = vector.shape_cast %get3A_324 : vector<16xf32> to vector<16xf32>
      %mul3A_326 = arith.constant 64 : i32
      %mul3A_327 = arith.muli %scan3A_282, %mul3A_326 : i32
      %add3A_328 = arith.constant 32 : i32
      %add3A_329 = arith.addi %mul3A_327, %add3A_328 : i32
      %get3A_330 = arith.index_cast %add3A_329 : i32 to index
      %get3A_331 = tpu.vector_load %arg5[%get3A_330] {strides = array<i32>} : memref<2048xf32, #tpu.memory_space<vmem>>, vector<16xf32>,
      %get3A_332 = vector.shape_cast %get3A_331 : vector<16xf32> to vector<16xf32>
      %add3A_333 = arith.addf %get3A_325, %get3A_332 : vector<16xf32>
      %swap3A_334 = arith.index_cast %add3A_322 : i32 to index
      %swap3A_335 = tpu.vector_load %arg7[%swap3A_334] {strides = array<i32>} : memref<1088xf32, #tpu.memory_space<vmem>>, vector<16xf32>,
      %swap3A_336 = vector.shape_cast %swap3A_335 : vector<16xf32> to vector<16xf32>
      %swap3A_337 = vector.shape_cast %add3A_333 : vector<16xf32> to vector<16xf32>
      tpu.vector_store %arg7[%swap3A_334], %swap3A_337 {strides = array<i32>} : memref<1088xf32, #tpu.memory_space<vmem>>, vector<16xf32>,
      %add3A_338 = arith.constant 48 : i32
      %add3A_339 = arith.addi %mul3A_286, %add3A_338 : i32
      %get3A_340 = arith.index_cast %add3A_339 : i32 to index
      %get3A_341 = tpu.vector_load %arg7[%get3A_340] {strides = array<i32>} : memref<1088xf32, #tpu.memory_space<vmem>>, vector<16xf32>,
      %get3A_342 = vector.shape_cast %get3A_341 : vector<16xf32> to vector<16xf32>
      %mul3A_343 = arith.constant 64 : i32
      %mul3A_344 = arith.muli %scan3A_282, %mul3A_343 : i32
      %add3A_345 = arith.constant 48 : i32
      %add3A_346 = arith.addi %mul3A_344, %add3A_345 : i32
      %get3A_347 = arith.index_cast %add3A_346 : i32 to index
      %get3A_348 = tpu.vector_load %arg5[%get3A_347] {strides = array<i32>} : memref<2048xf32, #tpu.memory_space<vmem>>, vector<16xf32>,
      %get3A_349 = vector.shape_cast %get3A_348 : vector<16xf32> to vector<16xf32>
      %add3A_350 = arith.addf %get3A_342, %get3A_349 : vector<16xf32>
      %swap3A_351 = arith.index_cast %add3A_339 : i32 to index
      %swap3A_352 = tpu.vector_load %arg7[%swap3A_351] {strides = array<i32>} : memref<1088xf32, #tpu.memory_space<vmem>>, vector<16xf32>,
      %swap3A_353 = vector.shape_cast %swap3A_352 : vector<16xf32> to vector<16xf32>
      %swap3A_354 = vector.shape_cast %add3A_350 : vector<16xf32> to vector<16xf32>
      tpu.vector_store %arg7[%swap3A_351], %swap3A_354 {strides = array<i32>} : memref<1088xf32, #tpu.memory_space<vmem>>, vector<16xf32>,
    }
    %scan3A_281 = arith.constant 32 : i32
    "tpu.region"() ({
      %run_scoped3A = tpu.sem_alloc : memref<!tpu.dma_semaphore, #tpu.memory_space<semaphore_mem>>
      %dma_start3A = arith.constant 0 : i32
      %dma_start3A_282 = tpu.memref_slice %arg7[%dma_start3A] : memref<1088xf32, #tpu.memory_space<vmem>> -> memref<1024xf32, #tpu.memory_space<vmem>>
      %dma_start3A_283 = arith.constant 0 : i32
      %dma_start3A_284 = tpu.memref_slice %arg4[%add3A, %dma_start3A_283] : memref<32x1024xf32, #tpu.memory_space<hbm>> -> memref<1x1024xf32, #tpu.memory_space<hbm>>
      %dma_start3A_285 = tpu.memref_squeeze %dma_start3A_284 : memref<1x1024xf32, #tpu.memory_space<hbm>> -> memref<1024xf32, #tpu.memory_space<hbm>>
      %dma_start3A_286 = arith.constant 0 : i32
      %dma_start3A_287 = tpu.memref_slice %arg4[%add3A, %dma_start3A_286] : memref<32x1024xf32, #tpu.memory_space<hbm>> -> memref<1x1024xf32, #tpu.memory_space<hbm>>
      %dma_start3A_288 = tpu.memref_squeeze %dma_start3A_287 : memref<1x1024xf32, #tpu.memory_space<hbm>> -> memref<1024xf32, #tpu.memory_space<hbm>>
      %dma_start3A_289 = arith.constant 0 : i32
      %dma_start3A_290 = tpu.memref_slice %arg7[%dma_start3A_289] : memref<1088xf32, #tpu.memory_space<vmem>> -> memref<1024xf32, #tpu.memory_space<vmem>>
      tpu.enqueue_dma source(%dma_start3A_290 : memref<1024xf32, #tpu.memory_space<vmem>>) target(%dma_start3A_288 : memref<1024xf32, #tpu.memory_space<hbm>>) target_semaphore(%run_scoped3A : memref<!tpu.dma_semaphore, #tpu.memory_space<semaphore_mem>>)
      %dma_wait3A = arith.constant 0 : i32
      %dma_wait3A_291 = tpu.memref_slice %arg7[%dma_wait3A] : memref<1088xf32, #tpu.memory_space<vmem>> -> memref<1024xf32, #tpu.memory_space<vmem>>
      %dma_wait3A_292 = arith.constant 0 : i32
      %dma_wait3A_293 = tpu.memref_slice %arg4[%add3A, %dma_wait3A_292] : memref<32x1024xf32, #tpu.memory_space<hbm>> -> memref<1x1024xf32, #tpu.memory_space<hbm>>
      %dma_wait3A_294 = tpu.memref_squeeze %dma_wait3A_293 : memref<1x1024xf32, #tpu.memory_space<hbm>> -> memref<1024xf32, #tpu.memory_space<hbm>>
      %dma_wait3A_295 = arith.constant 0 : i32
      %dma_wait3A_296 = tpu.memref_slice %arg4[%add3A, %dma_wait3A_295] : memref<32x1024xf32, #tpu.memory_space<hbm>> -> memref<1x1024xf32, #tpu.memory_space<hbm>>
      %dma_wait3A_297 = tpu.memref_squeeze %dma_wait3A_296 : memref<1x1024xf32, #tpu.memory_space<hbm>> -> memref<1024xf32, #tpu.memory_space<hbm>>
      %dma_wait3A_298 = arith.constant 0 : i32
      %dma_wait3A_299 = tpu.memref_slice %arg7[%dma_wait3A_298] : memref<1088xf32, #tpu.memory_space<vmem>> -> memref<1024xf32, #tpu.memory_space<vmem>>
      tpu.wait_dma2 semaphore(%run_scoped3A : memref<!tpu.dma_semaphore, #tpu.memory_space<semaphore_mem>>) src(%dma_wait3A_299 : memref<1024xf32, #tpu.memory_space<vmem>>) dst(%dma_wait3A_297 : memref<1024xf32, #tpu.memory_space<hbm>>)
      tpu.yield
    }) : () -> ()
    return
  }
}

module attributes {stable_mosaic.version = 14 : i64} {
  func.func @_stage_a(%arg0: memref<1280x3xf32, #tpu.memory_space<vmem>>, %arg1: memref<3x256xf32, #tpu.memory_space<vmem>>, %arg2: memref<528x64xf32, #tpu.memory_space<vmem>>, %arg3: memref<1024x64xf32, #tpu.memory_space<vmem>>, %arg4: memref<1024x1xi32, #tpu.memory_space<vmem>>, %arg5: memref<64x1xf32, #tpu.memory_space<vmem>>) attributes {dimension_semantics = [], scalar_prefetch = 0 : i64, scratch_operands = 0 : i64, tpu.core_type = #tpu.core_type<tc>} {
    %get3A = arith.constant 0 : index
    %get3A_0 = arith.constant 0 : index
    %get3A_1 = vector.load %arg0[%get3A, %get3A_0] : memref<1280x3xf32, #tpu.memory_space<vmem>>, vector<1024x2xf32>
    %get3A_2 = arith.constant 0 : index
    %get3A_3 = arith.constant 2 : index
    %get3A_4 = vector.load %arg0[%get3A_2, %get3A_3] : memref<1280x3xf32, #tpu.memory_space<vmem>>, vector<1024x1xf32>
    %get3A_5 = arith.constant 1024 : index
    %get3A_6 = arith.constant 0 : index
    %get3A_7 = vector.load %arg0[%get3A_5, %get3A_6] : memref<1280x3xf32, #tpu.memory_space<vmem>>, vector<256x1xf32>
    %get3A_8 = arith.constant 0 : index
    %get3A_9 = arith.constant 0 : index
    %get3A_10 = vector.load %arg1[%get3A_8, %get3A_9] : memref<3x256xf32, #tpu.memory_space<vmem>>, vector<2x256xf32>
    %get3A_11 = arith.constant 2 : index
    %get3A_12 = arith.constant 0 : index
    %get3A_13 = vector.load %arg1[%get3A_11, %get3A_12] : memref<3x256xf32, #tpu.memory_space<vmem>>, vector<1x256xf32>
    %get3A_14 = arith.constant 0 : index
    %get3A_15 = arith.constant 0 : index
    %get3A_16 = vector.load %arg2[%get3A_14, %get3A_15] : memref<528x64xf32, #tpu.memory_space<vmem>>, vector<256x64xf32>
    %get3A_17 = arith.constant 264 : index
    %get3A_18 = arith.constant 0 : index
    %get3A_19 = vector.load %arg2[%get3A_17, %get3A_18] : memref<528x64xf32, #tpu.memory_space<vmem>>, vector<256x2xf32>
    %get3A_20 = arith.constant 520 : index
    %get3A_21 = arith.constant 0 : index
    %get3A_22 = vector.load %arg2[%get3A_20, %get3A_21] : memref<528x64xf32, #tpu.memory_space<vmem>>, vector<2x15xf32>
    %dot_general3A = arith.constant dense<0.000000e+00> : vector<256x15xf32>
    %dot_general3A_23 = tpu.matmul %get3A_19, %get3A_22, %dot_general3A {dimension_numbers = #tpu.dot_dimension_numbers<[1], [0], [0], [1], [0, 0, 1, 1], [], []>, transpose_lhs_hint = false} : vector<256x2xf32>, vector<2x15xf32>, vector<256x15xf32> -> vector<256x15xf32>
    %add3A = vector.broadcast %get3A_7 : vector<256x1xf32> to vector<256x15xf32>
    %add3A_24 = arith.addf %dot_general3A_23, %add3A : vector<256x15xf32>
    %broadcast_in_dim3A = arith.constant 0.000000e+00 : f32
    %broadcast_in_dim3A_25 = vector.broadcast %broadcast_in_dim3A : f32 to vector<64x1xf32>
    %broadcast_in_dim3A_26 = arith.constant 0.000000e+00 : f32
    %broadcast_in_dim3A_27 = vector.broadcast %broadcast_in_dim3A_26 : f32 to vector<64x1xf32>
    %slice3A = vector.extract_strided_slice %add3A_24 {offsets = [0, 0], sizes = [256, 1], strides = [1, 1]} : vector<256x15xf32> to vector<256x1xf32>
    %dot_general3A_28 = arith.constant dense<0.000000e+00> : vector<256x1xf32>
    %dot_general3A_29 = tpu.matmul %get3A_16, %broadcast_in_dim3A_25, %dot_general3A_28 {dimension_numbers = #tpu.dot_dimension_numbers<[1], [0], [0], [1], [0, 0, 1, 1], [], []>, transpose_lhs_hint = false} : vector<256x64xf32>, vector<64x1xf32>, vector<256x1xf32> -> vector<256x1xf32>
    %add3A_30 = arith.addf %slice3A, %dot_general3A_29 : vector<256x1xf32>
    %slice3A_31 = vector.extract_strided_slice %add3A_30 {offsets = [0, 0], sizes = [64, 1], strides = [1, 1]} : vector<256x1xf32> to vector<64x1xf32>
    %logistic3A = arith.negf %slice3A_31 : vector<64x1xf32>
    %logistic3A_32 = math.exp %logistic3A : vector<64x1xf32>
    %logistic3A_33 = arith.constant 1.000000e+00 : f32
    %logistic3A_34 = vector.broadcast %logistic3A_33 : f32 to vector<64x1xf32>
    %logistic3A_35 = arith.addf %logistic3A_34, %logistic3A_32 : vector<64x1xf32>
    %logistic3A_36 = arith.divf %logistic3A_34, %logistic3A_35 : vector<64x1xf32>
    %slice3A_37 = vector.extract_strided_slice %add3A_30 {offsets = [64, 0], sizes = [64, 1], strides = [1, 1]} : vector<256x1xf32> to vector<64x1xf32>
    %logistic3A_38 = arith.negf %slice3A_37 : vector<64x1xf32>
    %logistic3A_39 = math.exp %logistic3A_38 : vector<64x1xf32>
    %logistic3A_40 = arith.constant 1.000000e+00 : f32
    %logistic3A_41 = vector.broadcast %logistic3A_40 : f32 to vector<64x1xf32>
    %logistic3A_42 = arith.addf %logistic3A_41, %logistic3A_39 : vector<64x1xf32>
    %logistic3A_43 = arith.divf %logistic3A_41, %logistic3A_42 : vector<64x1xf32>
    %slice3A_44 = vector.extract_strided_slice %add3A_30 {offsets = [128, 0], sizes = [64, 1], strides = [1, 1]} : vector<256x1xf32> to vector<64x1xf32>
    %tanh3A = math.tanh %slice3A_44 : vector<64x1xf32>
    %slice3A_45 = vector.extract_strided_slice %add3A_30 {offsets = [192, 0], sizes = [64, 1], strides = [1, 1]} : vector<256x1xf32> to vector<64x1xf32>
    %logistic3A_46 = arith.negf %slice3A_45 : vector<64x1xf32>
    %logistic3A_47 = math.exp %logistic3A_46 : vector<64x1xf32>
    %logistic3A_48 = arith.constant 1.000000e+00 : f32
    %logistic3A_49 = vector.broadcast %logistic3A_48 : f32 to vector<64x1xf32>
    %logistic3A_50 = arith.addf %logistic3A_49, %logistic3A_47 : vector<64x1xf32>
    %logistic3A_51 = arith.divf %logistic3A_49, %logistic3A_50 : vector<64x1xf32>
    %mul3A = arith.mulf %logistic3A_43, %broadcast_in_dim3A_27 : vector<64x1xf32>
    %mul3A_52 = arith.mulf %logistic3A_36, %tanh3A : vector<64x1xf32>
    %add3A_53 = arith.addf %mul3A, %mul3A_52 : vector<64x1xf32>
    %tanh3A_54 = math.tanh %add3A_53 : vector<64x1xf32>
    %mul3A_55 = arith.mulf %logistic3A_51, %tanh3A_54 : vector<64x1xf32>
    %slice3A_56 = vector.extract_strided_slice %add3A_24 {offsets = [0, 1], sizes = [256, 1], strides = [1, 1]} : vector<256x15xf32> to vector<256x1xf32>
    %dot_general3A_57 = arith.constant dense<0.000000e+00> : vector<256x1xf32>
    %dot_general3A_58 = tpu.matmul %get3A_16, %mul3A_55, %dot_general3A_57 {dimension_numbers = #tpu.dot_dimension_numbers<[1], [0], [0], [1], [0, 0, 1, 1], [], []>, transpose_lhs_hint = false} : vector<256x64xf32>, vector<64x1xf32>, vector<256x1xf32> -> vector<256x1xf32>
    %add3A_59 = arith.addf %slice3A_56, %dot_general3A_58 : vector<256x1xf32>
    %slice3A_60 = vector.extract_strided_slice %add3A_59 {offsets = [0, 0], sizes = [64, 1], strides = [1, 1]} : vector<256x1xf32> to vector<64x1xf32>
    %logistic3A_61 = arith.negf %slice3A_60 : vector<64x1xf32>
    %logistic3A_62 = math.exp %logistic3A_61 : vector<64x1xf32>
    %logistic3A_63 = arith.constant 1.000000e+00 : f32
    %logistic3A_64 = vector.broadcast %logistic3A_63 : f32 to vector<64x1xf32>
    %logistic3A_65 = arith.addf %logistic3A_64, %logistic3A_62 : vector<64x1xf32>
    %logistic3A_66 = arith.divf %logistic3A_64, %logistic3A_65 : vector<64x1xf32>
    %slice3A_67 = vector.extract_strided_slice %add3A_59 {offsets = [64, 0], sizes = [64, 1], strides = [1, 1]} : vector<256x1xf32> to vector<64x1xf32>
    %logistic3A_68 = arith.negf %slice3A_67 : vector<64x1xf32>
    %logistic3A_69 = math.exp %logistic3A_68 : vector<64x1xf32>
    %logistic3A_70 = arith.constant 1.000000e+00 : f32
    %logistic3A_71 = vector.broadcast %logistic3A_70 : f32 to vector<64x1xf32>
    %logistic3A_72 = arith.addf %logistic3A_71, %logistic3A_69 : vector<64x1xf32>
    %logistic3A_73 = arith.divf %logistic3A_71, %logistic3A_72 : vector<64x1xf32>
    %slice3A_74 = vector.extract_strided_slice %add3A_59 {offsets = [128, 0], sizes = [64, 1], strides = [1, 1]} : vector<256x1xf32> to vector<64x1xf32>
    %tanh3A_75 = math.tanh %slice3A_74 : vector<64x1xf32>
    %slice3A_76 = vector.extract_strided_slice %add3A_59 {offsets = [192, 0], sizes = [64, 1], strides = [1, 1]} : vector<256x1xf32> to vector<64x1xf32>
    %logistic3A_77 = arith.negf %slice3A_76 : vector<64x1xf32>
    %logistic3A_78 = math.exp %logistic3A_77 : vector<64x1xf32>
    %logistic3A_79 = arith.constant 1.000000e+00 : f32
    %logistic3A_80 = vector.broadcast %logistic3A_79 : f32 to vector<64x1xf32>
    %logistic3A_81 = arith.addf %logistic3A_80, %logistic3A_78 : vector<64x1xf32>
    %logistic3A_82 = arith.divf %logistic3A_80, %logistic3A_81 : vector<64x1xf32>
    %mul3A_83 = arith.mulf %logistic3A_73, %add3A_53 : vector<64x1xf32>
    %mul3A_84 = arith.mulf %logistic3A_66, %tanh3A_75 : vector<64x1xf32>
    %add3A_85 = arith.addf %mul3A_83, %mul3A_84 : vector<64x1xf32>
    %tanh3A_86 = math.tanh %add3A_85 : vector<64x1xf32>
    %mul3A_87 = arith.mulf %logistic3A_82, %tanh3A_86 : vector<64x1xf32>
    %slice3A_88 = vector.extract_strided_slice %add3A_24 {offsets = [0, 2], sizes = [256, 1], strides = [1, 1]} : vector<256x15xf32> to vector<256x1xf32>
    %dot_general3A_89 = arith.constant dense<0.000000e+00> : vector<256x1xf32>
    %dot_general3A_90 = tpu.matmul %get3A_16, %mul3A_87, %dot_general3A_89 {dimension_numbers = #tpu.dot_dimension_numbers<[1], [0], [0], [1], [0, 0, 1, 1], [], []>, transpose_lhs_hint = false} : vector<256x64xf32>, vector<64x1xf32>, vector<256x1xf32> -> vector<256x1xf32>
    %add3A_91 = arith.addf %slice3A_88, %dot_general3A_90 : vector<256x1xf32>
    %slice3A_92 = vector.extract_strided_slice %add3A_91 {offsets = [0, 0], sizes = [64, 1], strides = [1, 1]} : vector<256x1xf32> to vector<64x1xf32>
    %logistic3A_93 = arith.negf %slice3A_92 : vector<64x1xf32>
    %logistic3A_94 = math.exp %logistic3A_93 : vector<64x1xf32>
    %logistic3A_95 = arith.constant 1.000000e+00 : f32
    %logistic3A_96 = vector.broadcast %logistic3A_95 : f32 to vector<64x1xf32>
    %logistic3A_97 = arith.addf %logistic3A_96, %logistic3A_94 : vector<64x1xf32>
    %logistic3A_98 = arith.divf %logistic3A_96, %logistic3A_97 : vector<64x1xf32>
    %slice3A_99 = vector.extract_strided_slice %add3A_91 {offsets = [64, 0], sizes = [64, 1], strides = [1, 1]} : vector<256x1xf32> to vector<64x1xf32>
    %logistic3A_100 = arith.negf %slice3A_99 : vector<64x1xf32>
    %logistic3A_101 = math.exp %logistic3A_100 : vector<64x1xf32>
    %logistic3A_102 = arith.constant 1.000000e+00 : f32
    %logistic3A_103 = vector.broadcast %logistic3A_102 : f32 to vector<64x1xf32>
    %logistic3A_104 = arith.addf %logistic3A_103, %logistic3A_101 : vector<64x1xf32>
    %logistic3A_105 = arith.divf %logistic3A_103, %logistic3A_104 : vector<64x1xf32>
    %slice3A_106 = vector.extract_strided_slice %add3A_91 {offsets = [128, 0], sizes = [64, 1], strides = [1, 1]} : vector<256x1xf32> to vector<64x1xf32>
    %tanh3A_107 = math.tanh %slice3A_106 : vector<64x1xf32>
    %slice3A_108 = vector.extract_strided_slice %add3A_91 {offsets = [192, 0], sizes = [64, 1], strides = [1, 1]} : vector<256x1xf32> to vector<64x1xf32>
    %logistic3A_109 = arith.negf %slice3A_108 : vector<64x1xf32>
    %logistic3A_110 = math.exp %logistic3A_109 : vector<64x1xf32>
    %logistic3A_111 = arith.constant 1.000000e+00 : f32
    %logistic3A_112 = vector.broadcast %logistic3A_111 : f32 to vector<64x1xf32>
    %logistic3A_113 = arith.addf %logistic3A_112, %logistic3A_110 : vector<64x1xf32>
    %logistic3A_114 = arith.divf %logistic3A_112, %logistic3A_113 : vector<64x1xf32>
    %mul3A_115 = arith.mulf %logistic3A_105, %add3A_85 : vector<64x1xf32>
    %mul3A_116 = arith.mulf %logistic3A_98, %tanh3A_107 : vector<64x1xf32>
    %add3A_117 = arith.addf %mul3A_115, %mul3A_116 : vector<64x1xf32>
    %tanh3A_118 = math.tanh %add3A_117 : vector<64x1xf32>
    %mul3A_119 = arith.mulf %logistic3A_114, %tanh3A_118 : vector<64x1xf32>
    %slice3A_120 = vector.extract_strided_slice %add3A_24 {offsets = [0, 3], sizes = [256, 1], strides = [1, 1]} : vector<256x15xf32> to vector<256x1xf32>
    %dot_general3A_121 = arith.constant dense<0.000000e+00> : vector<256x1xf32>
    %dot_general3A_122 = tpu.matmul %get3A_16, %mul3A_119, %dot_general3A_121 {dimension_numbers = #tpu.dot_dimension_numbers<[1], [0], [0], [1], [0, 0, 1, 1], [], []>, transpose_lhs_hint = false} : vector<256x64xf32>, vector<64x1xf32>, vector<256x1xf32> -> vector<256x1xf32>
    %add3A_123 = arith.addf %slice3A_120, %dot_general3A_122 : vector<256x1xf32>
    %slice3A_124 = vector.extract_strided_slice %add3A_123 {offsets = [0, 0], sizes = [64, 1], strides = [1, 1]} : vector<256x1xf32> to vector<64x1xf32>
    %logistic3A_125 = arith.negf %slice3A_124 : vector<64x1xf32>
    %logistic3A_126 = math.exp %logistic3A_125 : vector<64x1xf32>
    %logistic3A_127 = arith.constant 1.000000e+00 : f32
    %logistic3A_128 = vector.broadcast %logistic3A_127 : f32 to vector<64x1xf32>
    %logistic3A_129 = arith.addf %logistic3A_128, %logistic3A_126 : vector<64x1xf32>
    %logistic3A_130 = arith.divf %logistic3A_128, %logistic3A_129 : vector<64x1xf32>
    %slice3A_131 = vector.extract_strided_slice %add3A_123 {offsets = [64, 0], sizes = [64, 1], strides = [1, 1]} : vector<256x1xf32> to vector<64x1xf32>
    %logistic3A_132 = arith.negf %slice3A_131 : vector<64x1xf32>
    %logistic3A_133 = math.exp %logistic3A_132 : vector<64x1xf32>
    %logistic3A_134 = arith.constant 1.000000e+00 : f32
    %logistic3A_135 = vector.broadcast %logistic3A_134 : f32 to vector<64x1xf32>
    %logistic3A_136 = arith.addf %logistic3A_135, %logistic3A_133 : vector<64x1xf32>
    %logistic3A_137 = arith.divf %logistic3A_135, %logistic3A_136 : vector<64x1xf32>
    %slice3A_138 = vector.extract_strided_slice %add3A_123 {offsets = [128, 0], sizes = [64, 1], strides = [1, 1]} : vector<256x1xf32> to vector<64x1xf32>
    %tanh3A_139 = math.tanh %slice3A_138 : vector<64x1xf32>
    %slice3A_140 = vector.extract_strided_slice %add3A_123 {offsets = [192, 0], sizes = [64, 1], strides = [1, 1]} : vector<256x1xf32> to vector<64x1xf32>
    %logistic3A_141 = arith.negf %slice3A_140 : vector<64x1xf32>
    %logistic3A_142 = math.exp %logistic3A_141 : vector<64x1xf32>
    %logistic3A_143 = arith.constant 1.000000e+00 : f32
    %logistic3A_144 = vector.broadcast %logistic3A_143 : f32 to vector<64x1xf32>
    %logistic3A_145 = arith.addf %logistic3A_144, %logistic3A_142 : vector<64x1xf32>
    %logistic3A_146 = arith.divf %logistic3A_144, %logistic3A_145 : vector<64x1xf32>
    %mul3A_147 = arith.mulf %logistic3A_137, %add3A_117 : vector<64x1xf32>
    %mul3A_148 = arith.mulf %logistic3A_130, %tanh3A_139 : vector<64x1xf32>
    %add3A_149 = arith.addf %mul3A_147, %mul3A_148 : vector<64x1xf32>
    %tanh3A_150 = math.tanh %add3A_149 : vector<64x1xf32>
    %mul3A_151 = arith.mulf %logistic3A_146, %tanh3A_150 : vector<64x1xf32>
    %slice3A_152 = vector.extract_strided_slice %add3A_24 {offsets = [0, 4], sizes = [256, 1], strides = [1, 1]} : vector<256x15xf32> to vector<256x1xf32>
    %dot_general3A_153 = arith.constant dense<0.000000e+00> : vector<256x1xf32>
    %dot_general3A_154 = tpu.matmul %get3A_16, %mul3A_151, %dot_general3A_153 {dimension_numbers = #tpu.dot_dimension_numbers<[1], [0], [0], [1], [0, 0, 1, 1], [], []>, transpose_lhs_hint = false} : vector<256x64xf32>, vector<64x1xf32>, vector<256x1xf32> -> vector<256x1xf32>
    %add3A_155 = arith.addf %slice3A_152, %dot_general3A_154 : vector<256x1xf32>
    %slice3A_156 = vector.extract_strided_slice %add3A_155 {offsets = [0, 0], sizes = [64, 1], strides = [1, 1]} : vector<256x1xf32> to vector<64x1xf32>
    %logistic3A_157 = arith.negf %slice3A_156 : vector<64x1xf32>
    %logistic3A_158 = math.exp %logistic3A_157 : vector<64x1xf32>
    %logistic3A_159 = arith.constant 1.000000e+00 : f32
    %logistic3A_160 = vector.broadcast %logistic3A_159 : f32 to vector<64x1xf32>
    %logistic3A_161 = arith.addf %logistic3A_160, %logistic3A_158 : vector<64x1xf32>
    %logistic3A_162 = arith.divf %logistic3A_160, %logistic3A_161 : vector<64x1xf32>
    %slice3A_163 = vector.extract_strided_slice %add3A_155 {offsets = [64, 0], sizes = [64, 1], strides = [1, 1]} : vector<256x1xf32> to vector<64x1xf32>
    %logistic3A_164 = arith.negf %slice3A_163 : vector<64x1xf32>
    %logistic3A_165 = math.exp %logistic3A_164 : vector<64x1xf32>
    %logistic3A_166 = arith.constant 1.000000e+00 : f32
    %logistic3A_167 = vector.broadcast %logistic3A_166 : f32 to vector<64x1xf32>
    %logistic3A_168 = arith.addf %logistic3A_167, %logistic3A_165 : vector<64x1xf32>
    %logistic3A_169 = arith.divf %logistic3A_167, %logistic3A_168 : vector<64x1xf32>
    %slice3A_170 = vector.extract_strided_slice %add3A_155 {offsets = [128, 0], sizes = [64, 1], strides = [1, 1]} : vector<256x1xf32> to vector<64x1xf32>
    %tanh3A_171 = math.tanh %slice3A_170 : vector<64x1xf32>
    %slice3A_172 = vector.extract_strided_slice %add3A_155 {offsets = [192, 0], sizes = [64, 1], strides = [1, 1]} : vector<256x1xf32> to vector<64x1xf32>
    %logistic3A_173 = arith.negf %slice3A_172 : vector<64x1xf32>
    %logistic3A_174 = math.exp %logistic3A_173 : vector<64x1xf32>
    %logistic3A_175 = arith.constant 1.000000e+00 : f32
    %logistic3A_176 = vector.broadcast %logistic3A_175 : f32 to vector<64x1xf32>
    %logistic3A_177 = arith.addf %logistic3A_176, %logistic3A_174 : vector<64x1xf32>
    %logistic3A_178 = arith.divf %logistic3A_176, %logistic3A_177 : vector<64x1xf32>
    %mul3A_179 = arith.mulf %logistic3A_169, %add3A_149 : vector<64x1xf32>
    %mul3A_180 = arith.mulf %logistic3A_162, %tanh3A_171 : vector<64x1xf32>
    %add3A_181 = arith.addf %mul3A_179, %mul3A_180 : vector<64x1xf32>
    %tanh3A_182 = math.tanh %add3A_181 : vector<64x1xf32>
    %mul3A_183 = arith.mulf %logistic3A_178, %tanh3A_182 : vector<64x1xf32>
    %slice3A_184 = vector.extract_strided_slice %add3A_24 {offsets = [0, 5], sizes = [256, 1], strides = [1, 1]} : vector<256x15xf32> to vector<256x1xf32>
    %dot_general3A_185 = arith.constant dense<0.000000e+00> : vector<256x1xf32>
    %dot_general3A_186 = tpu.matmul %get3A_16, %mul3A_183, %dot_general3A_185 {dimension_numbers = #tpu.dot_dimension_numbers<[1], [0], [0], [1], [0, 0, 1, 1], [], []>, transpose_lhs_hint = false} : vector<256x64xf32>, vector<64x1xf32>, vector<256x1xf32> -> vector<256x1xf32>
    %add3A_187 = arith.addf %slice3A_184, %dot_general3A_186 : vector<256x1xf32>
    %slice3A_188 = vector.extract_strided_slice %add3A_187 {offsets = [0, 0], sizes = [64, 1], strides = [1, 1]} : vector<256x1xf32> to vector<64x1xf32>
    %logistic3A_189 = arith.negf %slice3A_188 : vector<64x1xf32>
    %logistic3A_190 = math.exp %logistic3A_189 : vector<64x1xf32>
    %logistic3A_191 = arith.constant 1.000000e+00 : f32
    %logistic3A_192 = vector.broadcast %logistic3A_191 : f32 to vector<64x1xf32>
    %logistic3A_193 = arith.addf %logistic3A_192, %logistic3A_190 : vector<64x1xf32>
    %logistic3A_194 = arith.divf %logistic3A_192, %logistic3A_193 : vector<64x1xf32>
    %slice3A_195 = vector.extract_strided_slice %add3A_187 {offsets = [64, 0], sizes = [64, 1], strides = [1, 1]} : vector<256x1xf32> to vector<64x1xf32>
    %logistic3A_196 = arith.negf %slice3A_195 : vector<64x1xf32>
    %logistic3A_197 = math.exp %logistic3A_196 : vector<64x1xf32>
    %logistic3A_198 = arith.constant 1.000000e+00 : f32
    %logistic3A_199 = vector.broadcast %logistic3A_198 : f32 to vector<64x1xf32>
    %logistic3A_200 = arith.addf %logistic3A_199, %logistic3A_197 : vector<64x1xf32>
    %logistic3A_201 = arith.divf %logistic3A_199, %logistic3A_200 : vector<64x1xf32>
    %slice3A_202 = vector.extract_strided_slice %add3A_187 {offsets = [128, 0], sizes = [64, 1], strides = [1, 1]} : vector<256x1xf32> to vector<64x1xf32>
    %tanh3A_203 = math.tanh %slice3A_202 : vector<64x1xf32>
    %slice3A_204 = vector.extract_strided_slice %add3A_187 {offsets = [192, 0], sizes = [64, 1], strides = [1, 1]} : vector<256x1xf32> to vector<64x1xf32>
    %logistic3A_205 = arith.negf %slice3A_204 : vector<64x1xf32>
    %logistic3A_206 = math.exp %logistic3A_205 : vector<64x1xf32>
    %logistic3A_207 = arith.constant 1.000000e+00 : f32
    %logistic3A_208 = vector.broadcast %logistic3A_207 : f32 to vector<64x1xf32>
    %logistic3A_209 = arith.addf %logistic3A_208, %logistic3A_206 : vector<64x1xf32>
    %logistic3A_210 = arith.divf %logistic3A_208, %logistic3A_209 : vector<64x1xf32>
    %mul3A_211 = arith.mulf %logistic3A_201, %add3A_181 : vector<64x1xf32>
    %mul3A_212 = arith.mulf %logistic3A_194, %tanh3A_203 : vector<64x1xf32>
    %add3A_213 = arith.addf %mul3A_211, %mul3A_212 : vector<64x1xf32>
    %tanh3A_214 = math.tanh %add3A_213 : vector<64x1xf32>
    %mul3A_215 = arith.mulf %logistic3A_210, %tanh3A_214 : vector<64x1xf32>
    %slice3A_216 = vector.extract_strided_slice %add3A_24 {offsets = [0, 6], sizes = [256, 1], strides = [1, 1]} : vector<256x15xf32> to vector<256x1xf32>
    %dot_general3A_217 = arith.constant dense<0.000000e+00> : vector<256x1xf32>
    %dot_general3A_218 = tpu.matmul %get3A_16, %mul3A_215, %dot_general3A_217 {dimension_numbers = #tpu.dot_dimension_numbers<[1], [0], [0], [1], [0, 0, 1, 1], [], []>, transpose_lhs_hint = false} : vector<256x64xf32>, vector<64x1xf32>, vector<256x1xf32> -> vector<256x1xf32>
    %add3A_219 = arith.addf %slice3A_216, %dot_general3A_218 : vector<256x1xf32>
    %slice3A_220 = vector.extract_strided_slice %add3A_219 {offsets = [0, 0], sizes = [64, 1], strides = [1, 1]} : vector<256x1xf32> to vector<64x1xf32>
    %logistic3A_221 = arith.negf %slice3A_220 : vector<64x1xf32>
    %logistic3A_222 = math.exp %logistic3A_221 : vector<64x1xf32>
    %logistic3A_223 = arith.constant 1.000000e+00 : f32
    %logistic3A_224 = vector.broadcast %logistic3A_223 : f32 to vector<64x1xf32>
    %logistic3A_225 = arith.addf %logistic3A_224, %logistic3A_222 : vector<64x1xf32>
    %logistic3A_226 = arith.divf %logistic3A_224, %logistic3A_225 : vector<64x1xf32>
    %slice3A_227 = vector.extract_strided_slice %add3A_219 {offsets = [64, 0], sizes = [64, 1], strides = [1, 1]} : vector<256x1xf32> to vector<64x1xf32>
    %logistic3A_228 = arith.negf %slice3A_227 : vector<64x1xf32>
    %logistic3A_229 = math.exp %logistic3A_228 : vector<64x1xf32>
    %logistic3A_230 = arith.constant 1.000000e+00 : f32
    %logistic3A_231 = vector.broadcast %logistic3A_230 : f32 to vector<64x1xf32>
    %logistic3A_232 = arith.addf %logistic3A_231, %logistic3A_229 : vector<64x1xf32>
    %logistic3A_233 = arith.divf %logistic3A_231, %logistic3A_232 : vector<64x1xf32>
    %slice3A_234 = vector.extract_strided_slice %add3A_219 {offsets = [128, 0], sizes = [64, 1], strides = [1, 1]} : vector<256x1xf32> to vector<64x1xf32>
    %tanh3A_235 = math.tanh %slice3A_234 : vector<64x1xf32>
    %slice3A_236 = vector.extract_strided_slice %add3A_219 {offsets = [192, 0], sizes = [64, 1], strides = [1, 1]} : vector<256x1xf32> to vector<64x1xf32>
    %logistic3A_237 = arith.negf %slice3A_236 : vector<64x1xf32>
    %logistic3A_238 = math.exp %logistic3A_237 : vector<64x1xf32>
    %logistic3A_239 = arith.constant 1.000000e+00 : f32
    %logistic3A_240 = vector.broadcast %logistic3A_239 : f32 to vector<64x1xf32>
    %logistic3A_241 = arith.addf %logistic3A_240, %logistic3A_238 : vector<64x1xf32>
    %logistic3A_242 = arith.divf %logistic3A_240, %logistic3A_241 : vector<64x1xf32>
    %mul3A_243 = arith.mulf %logistic3A_233, %add3A_213 : vector<64x1xf32>
    %mul3A_244 = arith.mulf %logistic3A_226, %tanh3A_235 : vector<64x1xf32>
    %add3A_245 = arith.addf %mul3A_243, %mul3A_244 : vector<64x1xf32>
    %tanh3A_246 = math.tanh %add3A_245 : vector<64x1xf32>
    %mul3A_247 = arith.mulf %logistic3A_242, %tanh3A_246 : vector<64x1xf32>
    %slice3A_248 = vector.extract_strided_slice %add3A_24 {offsets = [0, 7], sizes = [256, 1], strides = [1, 1]} : vector<256x15xf32> to vector<256x1xf32>
    %dot_general3A_249 = arith.constant dense<0.000000e+00> : vector<256x1xf32>
    %dot_general3A_250 = tpu.matmul %get3A_16, %mul3A_247, %dot_general3A_249 {dimension_numbers = #tpu.dot_dimension_numbers<[1], [0], [0], [1], [0, 0, 1, 1], [], []>, transpose_lhs_hint = false} : vector<256x64xf32>, vector<64x1xf32>, vector<256x1xf32> -> vector<256x1xf32>
    %add3A_251 = arith.addf %slice3A_248, %dot_general3A_250 : vector<256x1xf32>
    %slice3A_252 = vector.extract_strided_slice %add3A_251 {offsets = [0, 0], sizes = [64, 1], strides = [1, 1]} : vector<256x1xf32> to vector<64x1xf32>
    %logistic3A_253 = arith.negf %slice3A_252 : vector<64x1xf32>
    %logistic3A_254 = math.exp %logistic3A_253 : vector<64x1xf32>
    %logistic3A_255 = arith.constant 1.000000e+00 : f32
    %logistic3A_256 = vector.broadcast %logistic3A_255 : f32 to vector<64x1xf32>
    %logistic3A_257 = arith.addf %logistic3A_256, %logistic3A_254 : vector<64x1xf32>
    %logistic3A_258 = arith.divf %logistic3A_256, %logistic3A_257 : vector<64x1xf32>
    %slice3A_259 = vector.extract_strided_slice %add3A_251 {offsets = [64, 0], sizes = [64, 1], strides = [1, 1]} : vector<256x1xf32> to vector<64x1xf32>
    %logistic3A_260 = arith.negf %slice3A_259 : vector<64x1xf32>
    %logistic3A_261 = math.exp %logistic3A_260 : vector<64x1xf32>
    %logistic3A_262 = arith.constant 1.000000e+00 : f32
    %logistic3A_263 = vector.broadcast %logistic3A_262 : f32 to vector<64x1xf32>
    %logistic3A_264 = arith.addf %logistic3A_263, %logistic3A_261 : vector<64x1xf32>
    %logistic3A_265 = arith.divf %logistic3A_263, %logistic3A_264 : vector<64x1xf32>
    %slice3A_266 = vector.extract_strided_slice %add3A_251 {offsets = [128, 0], sizes = [64, 1], strides = [1, 1]} : vector<256x1xf32> to vector<64x1xf32>
    %tanh3A_267 = math.tanh %slice3A_266 : vector<64x1xf32>
    %slice3A_268 = vector.extract_strided_slice %add3A_251 {offsets = [192, 0], sizes = [64, 1], strides = [1, 1]} : vector<256x1xf32> to vector<64x1xf32>
    %logistic3A_269 = arith.negf %slice3A_268 : vector<64x1xf32>
    %logistic3A_270 = math.exp %logistic3A_269 : vector<64x1xf32>
    %logistic3A_271 = arith.constant 1.000000e+00 : f32
    %logistic3A_272 = vector.broadcast %logistic3A_271 : f32 to vector<64x1xf32>
    %logistic3A_273 = arith.addf %logistic3A_272, %logistic3A_270 : vector<64x1xf32>
    %logistic3A_274 = arith.divf %logistic3A_272, %logistic3A_273 : vector<64x1xf32>
    %mul3A_275 = arith.mulf %logistic3A_265, %add3A_245 : vector<64x1xf32>
    %mul3A_276 = arith.mulf %logistic3A_258, %tanh3A_267 : vector<64x1xf32>
    %add3A_277 = arith.addf %mul3A_275, %mul3A_276 : vector<64x1xf32>
    %tanh3A_278 = math.tanh %add3A_277 : vector<64x1xf32>
    %mul3A_279 = arith.mulf %logistic3A_274, %tanh3A_278 : vector<64x1xf32>
    %slice3A_280 = vector.extract_strided_slice %add3A_24 {offsets = [0, 8], sizes = [256, 1], strides = [1, 1]} : vector<256x15xf32> to vector<256x1xf32>
    %dot_general3A_281 = arith.constant dense<0.000000e+00> : vector<256x1xf32>
    %dot_general3A_282 = tpu.matmul %get3A_16, %mul3A_279, %dot_general3A_281 {dimension_numbers = #tpu.dot_dimension_numbers<[1], [0], [0], [1], [0, 0, 1, 1], [], []>, transpose_lhs_hint = false} : vector<256x64xf32>, vector<64x1xf32>, vector<256x1xf32> -> vector<256x1xf32>
    %add3A_283 = arith.addf %slice3A_280, %dot_general3A_282 : vector<256x1xf32>
    %slice3A_284 = vector.extract_strided_slice %add3A_283 {offsets = [0, 0], sizes = [64, 1], strides = [1, 1]} : vector<256x1xf32> to vector<64x1xf32>
    %logistic3A_285 = arith.negf %slice3A_284 : vector<64x1xf32>
    %logistic3A_286 = math.exp %logistic3A_285 : vector<64x1xf32>
    %logistic3A_287 = arith.constant 1.000000e+00 : f32
    %logistic3A_288 = vector.broadcast %logistic3A_287 : f32 to vector<64x1xf32>
    %logistic3A_289 = arith.addf %logistic3A_288, %logistic3A_286 : vector<64x1xf32>
    %logistic3A_290 = arith.divf %logistic3A_288, %logistic3A_289 : vector<64x1xf32>
    %slice3A_291 = vector.extract_strided_slice %add3A_283 {offsets = [64, 0], sizes = [64, 1], strides = [1, 1]} : vector<256x1xf32> to vector<64x1xf32>
    %logistic3A_292 = arith.negf %slice3A_291 : vector<64x1xf32>
    %logistic3A_293 = math.exp %logistic3A_292 : vector<64x1xf32>
    %logistic3A_294 = arith.constant 1.000000e+00 : f32
    %logistic3A_295 = vector.broadcast %logistic3A_294 : f32 to vector<64x1xf32>
    %logistic3A_296 = arith.addf %logistic3A_295, %logistic3A_293 : vector<64x1xf32>
    %logistic3A_297 = arith.divf %logistic3A_295, %logistic3A_296 : vector<64x1xf32>
    %slice3A_298 = vector.extract_strided_slice %add3A_283 {offsets = [128, 0], sizes = [64, 1], strides = [1, 1]} : vector<256x1xf32> to vector<64x1xf32>
    %tanh3A_299 = math.tanh %slice3A_298 : vector<64x1xf32>
    %slice3A_300 = vector.extract_strided_slice %add3A_283 {offsets = [192, 0], sizes = [64, 1], strides = [1, 1]} : vector<256x1xf32> to vector<64x1xf32>
    %logistic3A_301 = arith.negf %slice3A_300 : vector<64x1xf32>
    %logistic3A_302 = math.exp %logistic3A_301 : vector<64x1xf32>
    %logistic3A_303 = arith.constant 1.000000e+00 : f32
    %logistic3A_304 = vector.broadcast %logistic3A_303 : f32 to vector<64x1xf32>
    %logistic3A_305 = arith.addf %logistic3A_304, %logistic3A_302 : vector<64x1xf32>
    %logistic3A_306 = arith.divf %logistic3A_304, %logistic3A_305 : vector<64x1xf32>
    %mul3A_307 = arith.mulf %logistic3A_297, %add3A_277 : vector<64x1xf32>
    %mul3A_308 = arith.mulf %logistic3A_290, %tanh3A_299 : vector<64x1xf32>
    %add3A_309 = arith.addf %mul3A_307, %mul3A_308 : vector<64x1xf32>
    %tanh3A_310 = math.tanh %add3A_309 : vector<64x1xf32>
    %mul3A_311 = arith.mulf %logistic3A_306, %tanh3A_310 : vector<64x1xf32>
    %slice3A_312 = vector.extract_strided_slice %add3A_24 {offsets = [0, 9], sizes = [256, 1], strides = [1, 1]} : vector<256x15xf32> to vector<256x1xf32>
    %dot_general3A_313 = arith.constant dense<0.000000e+00> : vector<256x1xf32>
    %dot_general3A_314 = tpu.matmul %get3A_16, %mul3A_311, %dot_general3A_313 {dimension_numbers = #tpu.dot_dimension_numbers<[1], [0], [0], [1], [0, 0, 1, 1], [], []>, transpose_lhs_hint = false} : vector<256x64xf32>, vector<64x1xf32>, vector<256x1xf32> -> vector<256x1xf32>
    %add3A_315 = arith.addf %slice3A_312, %dot_general3A_314 : vector<256x1xf32>
    %slice3A_316 = vector.extract_strided_slice %add3A_315 {offsets = [0, 0], sizes = [64, 1], strides = [1, 1]} : vector<256x1xf32> to vector<64x1xf32>
    %logistic3A_317 = arith.negf %slice3A_316 : vector<64x1xf32>
    %logistic3A_318 = math.exp %logistic3A_317 : vector<64x1xf32>
    %logistic3A_319 = arith.constant 1.000000e+00 : f32
    %logistic3A_320 = vector.broadcast %logistic3A_319 : f32 to vector<64x1xf32>
    %logistic3A_321 = arith.addf %logistic3A_320, %logistic3A_318 : vector<64x1xf32>
    %logistic3A_322 = arith.divf %logistic3A_320, %logistic3A_321 : vector<64x1xf32>
    %slice3A_323 = vector.extract_strided_slice %add3A_315 {offsets = [64, 0], sizes = [64, 1], strides = [1, 1]} : vector<256x1xf32> to vector<64x1xf32>
    %logistic3A_324 = arith.negf %slice3A_323 : vector<64x1xf32>
    %logistic3A_325 = math.exp %logistic3A_324 : vector<64x1xf32>
    %logistic3A_326 = arith.constant 1.000000e+00 : f32
    %logistic3A_327 = vector.broadcast %logistic3A_326 : f32 to vector<64x1xf32>
    %logistic3A_328 = arith.addf %logistic3A_327, %logistic3A_325 : vector<64x1xf32>
    %logistic3A_329 = arith.divf %logistic3A_327, %logistic3A_328 : vector<64x1xf32>
    %slice3A_330 = vector.extract_strided_slice %add3A_315 {offsets = [128, 0], sizes = [64, 1], strides = [1, 1]} : vector<256x1xf32> to vector<64x1xf32>
    %tanh3A_331 = math.tanh %slice3A_330 : vector<64x1xf32>
    %slice3A_332 = vector.extract_strided_slice %add3A_315 {offsets = [192, 0], sizes = [64, 1], strides = [1, 1]} : vector<256x1xf32> to vector<64x1xf32>
    %logistic3A_333 = arith.negf %slice3A_332 : vector<64x1xf32>
    %logistic3A_334 = math.exp %logistic3A_333 : vector<64x1xf32>
    %logistic3A_335 = arith.constant 1.000000e+00 : f32
    %logistic3A_336 = vector.broadcast %logistic3A_335 : f32 to vector<64x1xf32>
    %logistic3A_337 = arith.addf %logistic3A_336, %logistic3A_334 : vector<64x1xf32>
    %logistic3A_338 = arith.divf %logistic3A_336, %logistic3A_337 : vector<64x1xf32>
    %mul3A_339 = arith.mulf %logistic3A_329, %add3A_309 : vector<64x1xf32>
    %mul3A_340 = arith.mulf %logistic3A_322, %tanh3A_331 : vector<64x1xf32>
    %add3A_341 = arith.addf %mul3A_339, %mul3A_340 : vector<64x1xf32>
    %tanh3A_342 = math.tanh %add3A_341 : vector<64x1xf32>
    %mul3A_343 = arith.mulf %logistic3A_338, %tanh3A_342 : vector<64x1xf32>
    %slice3A_344 = vector.extract_strided_slice %add3A_24 {offsets = [0, 10], sizes = [256, 1], strides = [1, 1]} : vector<256x15xf32> to vector<256x1xf32>
    %dot_general3A_345 = arith.constant dense<0.000000e+00> : vector<256x1xf32>
    %dot_general3A_346 = tpu.matmul %get3A_16, %mul3A_343, %dot_general3A_345 {dimension_numbers = #tpu.dot_dimension_numbers<[1], [0], [0], [1], [0, 0, 1, 1], [], []>, transpose_lhs_hint = false} : vector<256x64xf32>, vector<64x1xf32>, vector<256x1xf32> -> vector<256x1xf32>
    %add3A_347 = arith.addf %slice3A_344, %dot_general3A_346 : vector<256x1xf32>
    %slice3A_348 = vector.extract_strided_slice %add3A_347 {offsets = [0, 0], sizes = [64, 1], strides = [1, 1]} : vector<256x1xf32> to vector<64x1xf32>
    %logistic3A_349 = arith.negf %slice3A_348 : vector<64x1xf32>
    %logistic3A_350 = math.exp %logistic3A_349 : vector<64x1xf32>
    %logistic3A_351 = arith.constant 1.000000e+00 : f32
    %logistic3A_352 = vector.broadcast %logistic3A_351 : f32 to vector<64x1xf32>
    %logistic3A_353 = arith.addf %logistic3A_352, %logistic3A_350 : vector<64x1xf32>
    %logistic3A_354 = arith.divf %logistic3A_352, %logistic3A_353 : vector<64x1xf32>
    %slice3A_355 = vector.extract_strided_slice %add3A_347 {offsets = [64, 0], sizes = [64, 1], strides = [1, 1]} : vector<256x1xf32> to vector<64x1xf32>
    %logistic3A_356 = arith.negf %slice3A_355 : vector<64x1xf32>
    %logistic3A_357 = math.exp %logistic3A_356 : vector<64x1xf32>
    %logistic3A_358 = arith.constant 1.000000e+00 : f32
    %logistic3A_359 = vector.broadcast %logistic3A_358 : f32 to vector<64x1xf32>
    %logistic3A_360 = arith.addf %logistic3A_359, %logistic3A_357 : vector<64x1xf32>
    %logistic3A_361 = arith.divf %logistic3A_359, %logistic3A_360 : vector<64x1xf32>
    %slice3A_362 = vector.extract_strided_slice %add3A_347 {offsets = [128, 0], sizes = [64, 1], strides = [1, 1]} : vector<256x1xf32> to vector<64x1xf32>
    %tanh3A_363 = math.tanh %slice3A_362 : vector<64x1xf32>
    %slice3A_364 = vector.extract_strided_slice %add3A_347 {offsets = [192, 0], sizes = [64, 1], strides = [1, 1]} : vector<256x1xf32> to vector<64x1xf32>
    %logistic3A_365 = arith.negf %slice3A_364 : vector<64x1xf32>
    %logistic3A_366 = math.exp %logistic3A_365 : vector<64x1xf32>
    %logistic3A_367 = arith.constant 1.000000e+00 : f32
    %logistic3A_368 = vector.broadcast %logistic3A_367 : f32 to vector<64x1xf32>
    %logistic3A_369 = arith.addf %logistic3A_368, %logistic3A_366 : vector<64x1xf32>
    %logistic3A_370 = arith.divf %logistic3A_368, %logistic3A_369 : vector<64x1xf32>
    %mul3A_371 = arith.mulf %logistic3A_361, %add3A_341 : vector<64x1xf32>
    %mul3A_372 = arith.mulf %logistic3A_354, %tanh3A_363 : vector<64x1xf32>
    %add3A_373 = arith.addf %mul3A_371, %mul3A_372 : vector<64x1xf32>
    %tanh3A_374 = math.tanh %add3A_373 : vector<64x1xf32>
    %mul3A_375 = arith.mulf %logistic3A_370, %tanh3A_374 : vector<64x1xf32>
    %slice3A_376 = vector.extract_strided_slice %add3A_24 {offsets = [0, 11], sizes = [256, 1], strides = [1, 1]} : vector<256x15xf32> to vector<256x1xf32>
    %dot_general3A_377 = arith.constant dense<0.000000e+00> : vector<256x1xf32>
    %dot_general3A_378 = tpu.matmul %get3A_16, %mul3A_375, %dot_general3A_377 {dimension_numbers = #tpu.dot_dimension_numbers<[1], [0], [0], [1], [0, 0, 1, 1], [], []>, transpose_lhs_hint = false} : vector<256x64xf32>, vector<64x1xf32>, vector<256x1xf32> -> vector<256x1xf32>
    %add3A_379 = arith.addf %slice3A_376, %dot_general3A_378 : vector<256x1xf32>
    %slice3A_380 = vector.extract_strided_slice %add3A_379 {offsets = [0, 0], sizes = [64, 1], strides = [1, 1]} : vector<256x1xf32> to vector<64x1xf32>
    %logistic3A_381 = arith.negf %slice3A_380 : vector<64x1xf32>
    %logistic3A_382 = math.exp %logistic3A_381 : vector<64x1xf32>
    %logistic3A_383 = arith.constant 1.000000e+00 : f32
    %logistic3A_384 = vector.broadcast %logistic3A_383 : f32 to vector<64x1xf32>
    %logistic3A_385 = arith.addf %logistic3A_384, %logistic3A_382 : vector<64x1xf32>
    %logistic3A_386 = arith.divf %logistic3A_384, %logistic3A_385 : vector<64x1xf32>
    %slice3A_387 = vector.extract_strided_slice %add3A_379 {offsets = [64, 0], sizes = [64, 1], strides = [1, 1]} : vector<256x1xf32> to vector<64x1xf32>
    %logistic3A_388 = arith.negf %slice3A_387 : vector<64x1xf32>
    %logistic3A_389 = math.exp %logistic3A_388 : vector<64x1xf32>
    %logistic3A_390 = arith.constant 1.000000e+00 : f32
    %logistic3A_391 = vector.broadcast %logistic3A_390 : f32 to vector<64x1xf32>
    %logistic3A_392 = arith.addf %logistic3A_391, %logistic3A_389 : vector<64x1xf32>
    %logistic3A_393 = arith.divf %logistic3A_391, %logistic3A_392 : vector<64x1xf32>
    %slice3A_394 = vector.extract_strided_slice %add3A_379 {offsets = [128, 0], sizes = [64, 1], strides = [1, 1]} : vector<256x1xf32> to vector<64x1xf32>
    %tanh3A_395 = math.tanh %slice3A_394 : vector<64x1xf32>
    %slice3A_396 = vector.extract_strided_slice %add3A_379 {offsets = [192, 0], sizes = [64, 1], strides = [1, 1]} : vector<256x1xf32> to vector<64x1xf32>
    %logistic3A_397 = arith.negf %slice3A_396 : vector<64x1xf32>
    %logistic3A_398 = math.exp %logistic3A_397 : vector<64x1xf32>
    %logistic3A_399 = arith.constant 1.000000e+00 : f32
    %logistic3A_400 = vector.broadcast %logistic3A_399 : f32 to vector<64x1xf32>
    %logistic3A_401 = arith.addf %logistic3A_400, %logistic3A_398 : vector<64x1xf32>
    %logistic3A_402 = arith.divf %logistic3A_400, %logistic3A_401 : vector<64x1xf32>
    %mul3A_403 = arith.mulf %logistic3A_393, %add3A_373 : vector<64x1xf32>
    %mul3A_404 = arith.mulf %logistic3A_386, %tanh3A_395 : vector<64x1xf32>
    %add3A_405 = arith.addf %mul3A_403, %mul3A_404 : vector<64x1xf32>
    %tanh3A_406 = math.tanh %add3A_405 : vector<64x1xf32>
    %mul3A_407 = arith.mulf %logistic3A_402, %tanh3A_406 : vector<64x1xf32>
    %slice3A_408 = vector.extract_strided_slice %add3A_24 {offsets = [0, 12], sizes = [256, 1], strides = [1, 1]} : vector<256x15xf32> to vector<256x1xf32>
    %dot_general3A_409 = arith.constant dense<0.000000e+00> : vector<256x1xf32>
    %dot_general3A_410 = tpu.matmul %get3A_16, %mul3A_407, %dot_general3A_409 {dimension_numbers = #tpu.dot_dimension_numbers<[1], [0], [0], [1], [0, 0, 1, 1], [], []>, transpose_lhs_hint = false} : vector<256x64xf32>, vector<64x1xf32>, vector<256x1xf32> -> vector<256x1xf32>
    %add3A_411 = arith.addf %slice3A_408, %dot_general3A_410 : vector<256x1xf32>
    %slice3A_412 = vector.extract_strided_slice %add3A_411 {offsets = [0, 0], sizes = [64, 1], strides = [1, 1]} : vector<256x1xf32> to vector<64x1xf32>
    %logistic3A_413 = arith.negf %slice3A_412 : vector<64x1xf32>
    %logistic3A_414 = math.exp %logistic3A_413 : vector<64x1xf32>
    %logistic3A_415 = arith.constant 1.000000e+00 : f32
    %logistic3A_416 = vector.broadcast %logistic3A_415 : f32 to vector<64x1xf32>
    %logistic3A_417 = arith.addf %logistic3A_416, %logistic3A_414 : vector<64x1xf32>
    %logistic3A_418 = arith.divf %logistic3A_416, %logistic3A_417 : vector<64x1xf32>
    %slice3A_419 = vector.extract_strided_slice %add3A_411 {offsets = [64, 0], sizes = [64, 1], strides = [1, 1]} : vector<256x1xf32> to vector<64x1xf32>
    %logistic3A_420 = arith.negf %slice3A_419 : vector<64x1xf32>
    %logistic3A_421 = math.exp %logistic3A_420 : vector<64x1xf32>
    %logistic3A_422 = arith.constant 1.000000e+00 : f32
    %logistic3A_423 = vector.broadcast %logistic3A_422 : f32 to vector<64x1xf32>
    %logistic3A_424 = arith.addf %logistic3A_423, %logistic3A_421 : vector<64x1xf32>
    %logistic3A_425 = arith.divf %logistic3A_423, %logistic3A_424 : vector<64x1xf32>
    %slice3A_426 = vector.extract_strided_slice %add3A_411 {offsets = [128, 0], sizes = [64, 1], strides = [1, 1]} : vector<256x1xf32> to vector<64x1xf32>
    %tanh3A_427 = math.tanh %slice3A_426 : vector<64x1xf32>
    %slice3A_428 = vector.extract_strided_slice %add3A_411 {offsets = [192, 0], sizes = [64, 1], strides = [1, 1]} : vector<256x1xf32> to vector<64x1xf32>
    %logistic3A_429 = arith.negf %slice3A_428 : vector<64x1xf32>
    %logistic3A_430 = math.exp %logistic3A_429 : vector<64x1xf32>
    %logistic3A_431 = arith.constant 1.000000e+00 : f32
    %logistic3A_432 = vector.broadcast %logistic3A_431 : f32 to vector<64x1xf32>
    %logistic3A_433 = arith.addf %logistic3A_432, %logistic3A_430 : vector<64x1xf32>
    %logistic3A_434 = arith.divf %logistic3A_432, %logistic3A_433 : vector<64x1xf32>
    %mul3A_435 = arith.mulf %logistic3A_425, %add3A_405 : vector<64x1xf32>
    %mul3A_436 = arith.mulf %logistic3A_418, %tanh3A_427 : vector<64x1xf32>
    %add3A_437 = arith.addf %mul3A_435, %mul3A_436 : vector<64x1xf32>
    %tanh3A_438 = math.tanh %add3A_437 : vector<64x1xf32>
    %mul3A_439 = arith.mulf %logistic3A_434, %tanh3A_438 : vector<64x1xf32>
    %slice3A_440 = vector.extract_strided_slice %add3A_24 {offsets = [0, 13], sizes = [256, 1], strides = [1, 1]} : vector<256x15xf32> to vector<256x1xf32>
    %dot_general3A_441 = arith.constant dense<0.000000e+00> : vector<256x1xf32>
    %dot_general3A_442 = tpu.matmul %get3A_16, %mul3A_439, %dot_general3A_441 {dimension_numbers = #tpu.dot_dimension_numbers<[1], [0], [0], [1], [0, 0, 1, 1], [], []>, transpose_lhs_hint = false} : vector<256x64xf32>, vector<64x1xf32>, vector<256x1xf32> -> vector<256x1xf32>
    %add3A_443 = arith.addf %slice3A_440, %dot_general3A_442 : vector<256x1xf32>
    %slice3A_444 = vector.extract_strided_slice %add3A_443 {offsets = [0, 0], sizes = [64, 1], strides = [1, 1]} : vector<256x1xf32> to vector<64x1xf32>
    %logistic3A_445 = arith.negf %slice3A_444 : vector<64x1xf32>
    %logistic3A_446 = math.exp %logistic3A_445 : vector<64x1xf32>
    %logistic3A_447 = arith.constant 1.000000e+00 : f32
    %logistic3A_448 = vector.broadcast %logistic3A_447 : f32 to vector<64x1xf32>
    %logistic3A_449 = arith.addf %logistic3A_448, %logistic3A_446 : vector<64x1xf32>
    %logistic3A_450 = arith.divf %logistic3A_448, %logistic3A_449 : vector<64x1xf32>
    %slice3A_451 = vector.extract_strided_slice %add3A_443 {offsets = [64, 0], sizes = [64, 1], strides = [1, 1]} : vector<256x1xf32> to vector<64x1xf32>
    %logistic3A_452 = arith.negf %slice3A_451 : vector<64x1xf32>
    %logistic3A_453 = math.exp %logistic3A_452 : vector<64x1xf32>
    %logistic3A_454 = arith.constant 1.000000e+00 : f32
    %logistic3A_455 = vector.broadcast %logistic3A_454 : f32 to vector<64x1xf32>
    %logistic3A_456 = arith.addf %logistic3A_455, %logistic3A_453 : vector<64x1xf32>
    %logistic3A_457 = arith.divf %logistic3A_455, %logistic3A_456 : vector<64x1xf32>
    %slice3A_458 = vector.extract_strided_slice %add3A_443 {offsets = [128, 0], sizes = [64, 1], strides = [1, 1]} : vector<256x1xf32> to vector<64x1xf32>
    %tanh3A_459 = math.tanh %slice3A_458 : vector<64x1xf32>
    %slice3A_460 = vector.extract_strided_slice %add3A_443 {offsets = [192, 0], sizes = [64, 1], strides = [1, 1]} : vector<256x1xf32> to vector<64x1xf32>
    %logistic3A_461 = arith.negf %slice3A_460 : vector<64x1xf32>
    %logistic3A_462 = math.exp %logistic3A_461 : vector<64x1xf32>
    %logistic3A_463 = arith.constant 1.000000e+00 : f32
    %logistic3A_464 = vector.broadcast %logistic3A_463 : f32 to vector<64x1xf32>
    %logistic3A_465 = arith.addf %logistic3A_464, %logistic3A_462 : vector<64x1xf32>
    %logistic3A_466 = arith.divf %logistic3A_464, %logistic3A_465 : vector<64x1xf32>
    %mul3A_467 = arith.mulf %logistic3A_457, %add3A_437 : vector<64x1xf32>
    %mul3A_468 = arith.mulf %logistic3A_450, %tanh3A_459 : vector<64x1xf32>
    %add3A_469 = arith.addf %mul3A_467, %mul3A_468 : vector<64x1xf32>
    %tanh3A_470 = math.tanh %add3A_469 : vector<64x1xf32>
    %mul3A_471 = arith.mulf %logistic3A_466, %tanh3A_470 : vector<64x1xf32>
    %slice3A_472 = vector.extract_strided_slice %add3A_24 {offsets = [0, 14], sizes = [256, 1], strides = [1, 1]} : vector<256x15xf32> to vector<256x1xf32>
    %dot_general3A_473 = arith.constant dense<0.000000e+00> : vector<256x1xf32>
    %dot_general3A_474 = tpu.matmul %get3A_16, %mul3A_471, %dot_general3A_473 {dimension_numbers = #tpu.dot_dimension_numbers<[1], [0], [0], [1], [0, 0, 1, 1], [], []>, transpose_lhs_hint = false} : vector<256x64xf32>, vector<64x1xf32>, vector<256x1xf32> -> vector<256x1xf32>
    %add3A_475 = arith.addf %slice3A_472, %dot_general3A_474 : vector<256x1xf32>
    %slice3A_476 = vector.extract_strided_slice %add3A_475 {offsets = [0, 0], sizes = [64, 1], strides = [1, 1]} : vector<256x1xf32> to vector<64x1xf32>
    %logistic3A_477 = arith.negf %slice3A_476 : vector<64x1xf32>
    %logistic3A_478 = math.exp %logistic3A_477 : vector<64x1xf32>
    %logistic3A_479 = arith.constant 1.000000e+00 : f32
    %logistic3A_480 = vector.broadcast %logistic3A_479 : f32 to vector<64x1xf32>
    %logistic3A_481 = arith.addf %logistic3A_480, %logistic3A_478 : vector<64x1xf32>
    %logistic3A_482 = arith.divf %logistic3A_480, %logistic3A_481 : vector<64x1xf32>
    %slice3A_483 = vector.extract_strided_slice %add3A_475 {offsets = [64, 0], sizes = [64, 1], strides = [1, 1]} : vector<256x1xf32> to vector<64x1xf32>
    %logistic3A_484 = arith.negf %slice3A_483 : vector<64x1xf32>
    %logistic3A_485 = math.exp %logistic3A_484 : vector<64x1xf32>
    %logistic3A_486 = arith.constant 1.000000e+00 : f32
    %logistic3A_487 = vector.broadcast %logistic3A_486 : f32 to vector<64x1xf32>
    %logistic3A_488 = arith.addf %logistic3A_487, %logistic3A_485 : vector<64x1xf32>
    %logistic3A_489 = arith.divf %logistic3A_487, %logistic3A_488 : vector<64x1xf32>
    %slice3A_490 = vector.extract_strided_slice %add3A_475 {offsets = [128, 0], sizes = [64, 1], strides = [1, 1]} : vector<256x1xf32> to vector<64x1xf32>
    %tanh3A_491 = math.tanh %slice3A_490 : vector<64x1xf32>
    %slice3A_492 = vector.extract_strided_slice %add3A_475 {offsets = [192, 0], sizes = [64, 1], strides = [1, 1]} : vector<256x1xf32> to vector<64x1xf32>
    %logistic3A_493 = arith.negf %slice3A_492 : vector<64x1xf32>
    %logistic3A_494 = math.exp %logistic3A_493 : vector<64x1xf32>
    %logistic3A_495 = arith.constant 1.000000e+00 : f32
    %logistic3A_496 = vector.broadcast %logistic3A_495 : f32 to vector<64x1xf32>
    %logistic3A_497 = arith.addf %logistic3A_496, %logistic3A_494 : vector<64x1xf32>
    %logistic3A_498 = arith.divf %logistic3A_496, %logistic3A_497 : vector<64x1xf32>
    %mul3A_499 = arith.mulf %logistic3A_489, %add3A_469 : vector<64x1xf32>
    %mul3A_500 = arith.mulf %logistic3A_482, %tanh3A_491 : vector<64x1xf32>
    %add3A_501 = arith.addf %mul3A_499, %mul3A_500 : vector<64x1xf32>
    %tanh3A_502 = math.tanh %add3A_501 : vector<64x1xf32>
    %mul3A_503 = arith.mulf %logistic3A_498, %tanh3A_502 : vector<64x1xf32>
    %swap3A = arith.constant 0 : index
    %swap3A_504 = arith.constant 0 : index
    %swap3A_505 = vector.load %arg5[%swap3A, %swap3A_504] : memref<64x1xf32, #tpu.memory_space<vmem>>, vector<64x1xf32>
    tpu.vector_store %arg5[%swap3A, %swap3A_504], %mul3A_503 {strides = array<i32>} : memref<64x1xf32, #tpu.memory_space<vmem>>, vector<64x1xf32>,
    %dot_general3A_506 = arith.constant dense<0.000000e+00> : vector<1024x256xf32>
    %dot_general3A_507 = tpu.matmul %get3A_1, %get3A_10, %dot_general3A_506 {dimension_numbers = #tpu.dot_dimension_numbers<[1], [0], [0], [1], [0, 0, 1, 1], [], []>, transpose_lhs_hint = false} : vector<1024x2xf32>, vector<2x256xf32>, vector<1024x256xf32> -> vector<1024x256xf32>
    %add3A_508 = vector.broadcast %get3A_13 : vector<1x256xf32> to vector<1024x256xf32>
    %add3A_509 = arith.addf %dot_general3A_507, %add3A_508 : vector<1024x256xf32>
    %slice3A_510 = vector.extract_strided_slice %add3A_509 {offsets = [0, 0], sizes = [1024, 64], strides = [1, 1]} : vector<1024x256xf32> to vector<1024x64xf32>
    %logistic3A_511 = arith.negf %slice3A_510 : vector<1024x64xf32>
    %logistic3A_512 = math.exp %logistic3A_511 : vector<1024x64xf32>
    %logistic3A_513 = arith.constant 1.000000e+00 : f32
    %logistic3A_514 = vector.broadcast %logistic3A_513 : f32 to vector<1024x64xf32>
    %logistic3A_515 = arith.addf %logistic3A_514, %logistic3A_512 : vector<1024x64xf32>
    %logistic3A_516 = arith.divf %logistic3A_514, %logistic3A_515 : vector<1024x64xf32>
    %slice3A_517 = vector.extract_strided_slice %add3A_509 {offsets = [0, 128], sizes = [1024, 64], strides = [1, 1]} : vector<1024x256xf32> to vector<1024x64xf32>
    %tanh3A_518 = math.tanh %slice3A_517 : vector<1024x64xf32>
    %mul3A_519 = arith.mulf %logistic3A_516, %tanh3A_518 : vector<1024x64xf32>
    %slice3A_520 = vector.extract_strided_slice %add3A_509 {offsets = [0, 192], sizes = [1024, 64], strides = [1, 1]} : vector<1024x256xf32> to vector<1024x64xf32>
    %logistic3A_521 = arith.negf %slice3A_520 : vector<1024x64xf32>
    %logistic3A_522 = math.exp %logistic3A_521 : vector<1024x64xf32>
    %logistic3A_523 = arith.constant 1.000000e+00 : f32
    %logistic3A_524 = vector.broadcast %logistic3A_523 : f32 to vector<1024x64xf32>
    %logistic3A_525 = arith.addf %logistic3A_524, %logistic3A_522 : vector<1024x64xf32>
    %logistic3A_526 = arith.divf %logistic3A_524, %logistic3A_525 : vector<1024x64xf32>
    %tanh3A_527 = math.tanh %mul3A_519 : vector<1024x64xf32>
    %mul3A_528 = arith.mulf %logistic3A_526, %tanh3A_527 : vector<1024x64xf32>
    %swap3A_529 = arith.constant 0 : index
    %swap3A_530 = arith.constant 0 : index
    %swap3A_531 = vector.load %arg3[%swap3A_529, %swap3A_530] : memref<1024x64xf32, #tpu.memory_space<vmem>>, vector<1024x64xf32>
    tpu.vector_store %arg3[%swap3A_529, %swap3A_530], %mul3A_528 {strides = array<i32>} : memref<1024x64xf32, #tpu.memory_space<vmem>>, vector<1024x64xf32>,
    %slice3A_532 = vector.extract_strided_slice %get3A_22 {offsets = [0, 14], sizes = [1, 1], strides = [1, 1]} : vector<2x15xf32> to vector<1x1xf32>
    %slice3A_533 = vector.extract_strided_slice %get3A_22 {offsets = [1, 14], sizes = [1, 1], strides = [1, 1]} : vector<2x15xf32> to vector<1x1xf32>
    %slice3A_534 = vector.extract_strided_slice %get3A_1 {offsets = [0, 0], sizes = [1024, 1], strides = [1, 1]} : vector<1024x2xf32> to vector<1024x1xf32>
    %sub3A = vector.broadcast %slice3A_532 : vector<1x1xf32> to vector<1024x1xf32>
    %sub3A_535 = arith.subf %slice3A_534, %sub3A : vector<1024x1xf32>
    %slice3A_536 = vector.extract_strided_slice %get3A_1 {offsets = [0, 1], sizes = [1024, 1], strides = [1, 1]} : vector<1024x2xf32> to vector<1024x1xf32>
    %sub3A_537 = vector.broadcast %slice3A_533 : vector<1x1xf32> to vector<1024x1xf32>
    %sub3A_538 = arith.subf %slice3A_536, %sub3A_537 : vector<1024x1xf32>
    %abs3A = math.absf %sub3A_535 : vector<1024x1xf32>
    %le3A = arith.constant 2.000000e+00 : f32
    %le3A_539 = vector.broadcast %le3A : f32 to vector<1024x1xf32>
    %le3A_540 = arith.cmpf ole, %abs3A, %le3A_539 : vector<1024x1xf32>
    %abs3A_541 = math.absf %sub3A_538 : vector<1024x1xf32>
    %le3A_542 = arith.constant 2.000000e+00 : f32
    %le3A_543 = vector.broadcast %le3A_542 : f32 to vector<1024x1xf32>
    %le3A_544 = arith.cmpf ole, %abs3A_541, %le3A_543 : vector<1024x1xf32>
    %and3A = arith.andi %le3A_540, %le3A_544 : vector<1024x1xi1>
    %div3A = arith.constant 1.000000e+00 : f32
    %div3A_545 = vector.broadcast %div3A : f32 to vector<1024x1xf32>
    %div3A_546 = arith.divf %sub3A_535, %div3A_545 : vector<1024x1xf32>
    %convert_element_type3A = arith.fptosi %div3A_546 : vector<1024x1xf32> to vector<1024x1xi32>
    %add3A_547 = arith.constant 2 : i32
    %add3A_548 = vector.broadcast %add3A_547 : i32 to vector<1024x1xi32>
    %add3A_549 = arith.addi %convert_element_type3A, %add3A_548 : vector<1024x1xi32>
    %div3A_550 = arith.constant 1.000000e+00 : f32
    %div3A_551 = vector.broadcast %div3A_550 : f32 to vector<1024x1xf32>
    %div3A_552 = arith.divf %sub3A_538, %div3A_551 : vector<1024x1xf32>
    %convert_element_type3A_553 = arith.fptosi %div3A_552 : vector<1024x1xf32> to vector<1024x1xi32>
    %add3A_554 = arith.constant 2 : i32
    %add3A_555 = vector.broadcast %add3A_554 : i32 to vector<1024x1xi32>
    %add3A_556 = arith.addi %convert_element_type3A_553, %add3A_555 : vector<1024x1xi32>
    %ge3A = arith.constant 0 : i32
    %ge3A_557 = vector.broadcast %ge3A : i32 to vector<1024x1xi32>
    %ge3A_558 = arith.cmpi sge, %add3A_549, %ge3A_557 : vector<1024x1xi32>
    %lt3A = arith.constant 4 : i32
    %lt3A_559 = vector.broadcast %lt3A : i32 to vector<1024x1xi32>
    %lt3A_560 = arith.cmpi slt, %add3A_549, %lt3A_559 : vector<1024x1xi32>
    %and3A_561 = arith.andi %ge3A_558, %lt3A_560 : vector<1024x1xi1>
    %ge3A_562 = arith.constant 0 : i32
    %ge3A_563 = vector.broadcast %ge3A_562 : i32 to vector<1024x1xi32>
    %ge3A_564 = arith.cmpi sge, %add3A_556, %ge3A_563 : vector<1024x1xi32>
    %and3A_565 = arith.andi %and3A_561, %ge3A_564 : vector<1024x1xi1>
    %lt3A_566 = arith.constant 4 : i32
    %lt3A_567 = vector.broadcast %lt3A_566 : i32 to vector<1024x1xi32>
    %lt3A_568 = arith.cmpi slt, %add3A_556, %lt3A_567 : vector<1024x1xi32>
    %and3A_569 = arith.andi %and3A_565, %lt3A_568 : vector<1024x1xi1>
    %and3A_570 = arith.andi %and3A, %and3A_569 : vector<1024x1xi1>
    %ne3A = arith.constant 0.000000e+00 : f32
    %ne3A_571 = vector.broadcast %ne3A : f32 to vector<1024x1xf32>
    %ne3A_572 = arith.cmpf one, %get3A_4, %ne3A_571 : vector<1024x1xf32>
    %and3A_573 = arith.andi %and3A_570, %ne3A_572 : vector<1024x1xi1>
    %mul3A_574 = arith.constant 4 : i32
    %mul3A_575 = vector.broadcast %mul3A_574 : i32 to vector<1024x1xi32>
    %mul3A_576 = arith.muli %add3A_556, %mul3A_575 : vector<1024x1xi32>
    %add3A_577 = arith.addi %mul3A_576, %add3A_549 : vector<1024x1xi32>
    %jit3A = arith.constant 16 : i32
    %broadcast_in_dim3A_578 = vector.broadcast %jit3A : i32 to vector<1024x1xi32>
    %select_n3A = arith.select %and3A_573, %add3A_577, %broadcast_in_dim3A_578 : vector<1024x1xi1>, vector<1024x1xi32>
    %swap3A_579 = arith.constant 0 : index
    %swap3A_580 = arith.constant 0 : index
    %swap3A_581 = vector.load %arg4[%swap3A_579, %swap3A_580] : memref<1024x1xi32, #tpu.memory_space<vmem>>, vector<1024x1xi32>
    tpu.vector_store %arg4[%swap3A_579, %swap3A_580], %select_n3A {strides = array<i32>} : memref<1024x1xi32, #tpu.memory_space<vmem>>, vector<1024x1xi32>,
    return
  }
}

module attributes {stable_mosaic.version = 14 : i64} {
  func.func @_stage_c(%arg0: memref<100x1024xf32, #tpu.memory_space<vmem>>, %arg1: memref<66x64xf32, #tpu.memory_space<vmem>>, %arg2: memref<1x2xf32, #tpu.memory_space<vmem>>) attributes {dimension_semantics = [], scalar_prefetch = 0 : i64, scratch_operands = 0 : i64, tpu.core_type = #tpu.core_type<tc>} {
    %get3A = arith.constant 0 : index
    %get3A_0 = arith.constant 0 : index
    %get3A_1 = vector.load %arg0[%get3A, %get3A_0] : memref<100x1024xf32, #tpu.memory_space<vmem>>, vector<64x1024xf32>
    %get3A_2 = arith.constant 64 : index
    %get3A_3 = arith.constant 0 : index
    %get3A_4 = vector.load %arg0[%get3A_2, %get3A_3] : memref<100x1024xf32, #tpu.memory_space<vmem>>, vector<32x1024xf32>
    %get3A_5 = arith.constant 96 : index
    %get3A_6 = arith.constant 0 : index
    %get3A_7 = vector.load %arg0[%get3A_5, %get3A_6] : memref<100x1024xf32, #tpu.memory_space<vmem>>, vector<1x64xf32>
    %get3A_8 = arith.constant 97 : index
    %get3A_9 = arith.constant 0 : index
    %get3A_10 = vector.load %arg0[%get3A_8, %get3A_9] : memref<100x1024xf32, #tpu.memory_space<vmem>>, vector<1x64xf32>
    %get3A_11 = arith.constant 98 : index
    %get3A_12 = arith.constant 0 : index
    %get3A_13 = vector.load %arg0[%get3A_11, %get3A_12] : memref<100x1024xf32, #tpu.memory_space<vmem>>, vector<1x64xf32>
    %get3A_14 = arith.constant 99 : index
    %get3A_15 = arith.constant 0 : index
    %get3A_16 = vector.load %arg0[%get3A_14, %get3A_15] : memref<100x1024xf32, #tpu.memory_space<vmem>>, vector<1x2xf32>
    %get3A_17 = arith.constant 0 : index
    %get3A_18 = arith.constant 0 : index
    %get3A_19 = vector.load %arg1[%get3A_17, %get3A_18] : memref<66x64xf32, #tpu.memory_space<vmem>>, vector<64x64xf32>
    %get3A_20 = arith.constant 64 : index
    %get3A_21 = arith.constant 0 : index
    %get3A_22 = vector.load %arg1[%get3A_20, %get3A_21] : memref<66x64xf32, #tpu.memory_space<vmem>>, vector<2x64xf32>
    %reduce_sum3A = arith.constant dense<0.000000e+00> : vector<1024xf32>
    %reduce_sum3A_23 = vector.multi_reduction <add>, %get3A_4, %reduce_sum3A [0] : vector<32x1024xf32> to vector<1024xf32>
    %broadcast_in_dim3A = vector.shape_cast %reduce_sum3A_23 : vector<1024xf32> to vector<1x1024xf32>
    %dot_general3A = arith.constant dense<0.000000e+00> : vector<1x64xf32>
    %dot_general3A_24 = tpu.matmul %broadcast_in_dim3A, %get3A_1, %dot_general3A {dimension_numbers = #tpu.dot_dimension_numbers<[1], [1], [0], [0], [0, 0, 1, 0], [], []>, transpose_lhs_hint = false} : vector<1x1024xf32>, vector<64x1024xf32>, vector<1x64xf32> -> vector<1x64xf32>
    %add3A = arith.addf %dot_general3A_24, %get3A_7 : vector<1x64xf32>
    %max3A = arith.constant 0.000000e+00 : f32
    %max3A_25 = vector.broadcast %max3A : f32 to vector<1x64xf32>
    %max3A_26 = arith.maximumf %add3A, %max3A_25 : vector<1x64xf32>
    %dot_general3A_27 = arith.constant dense<0.000000e+00> : vector<1x64xf32>
    %dot_general3A_28 = tpu.matmul %max3A_26, %get3A_19, %dot_general3A_27 {dimension_numbers = #tpu.dot_dimension_numbers<[1], [1], [0], [0], [0, 0, 1, 0], [], []>, transpose_lhs_hint = false} : vector<1x64xf32>, vector<64x64xf32>, vector<1x64xf32> -> vector<1x64xf32>
    %add3A_29 = arith.addf %dot_general3A_28, %get3A_10 : vector<1x64xf32>
    %add3A_30 = arith.addf %get3A_13, %add3A_29 : vector<1x64xf32>
    %dot_general3A_31 = arith.constant dense<0.000000e+00> : vector<1x2xf32>
    %dot_general3A_32 = tpu.matmul %add3A_30, %get3A_22, %dot_general3A_31 {dimension_numbers = #tpu.dot_dimension_numbers<[1], [1], [0], [0], [0, 0, 1, 0], [], []>, transpose_lhs_hint = false} : vector<1x64xf32>, vector<2x64xf32>, vector<1x2xf32> -> vector<1x2xf32>
    %add3A_33 = arith.addf %dot_general3A_32, %get3A_16 : vector<1x2xf32>
    %swap3A = arith.constant 0 : index
    %swap3A_34 = arith.constant 0 : index
    %swap3A_35 = vector.load %arg2[%swap3A, %swap3A_34] : memref<1x2xf32, #tpu.memory_space<vmem>>, vector<1x2xf32>
    tpu.vector_store %arg2[%swap3A, %swap3A_34], %add3A_33 {strides = array<i32>} : memref<1x2xf32, #tpu.memory_space<vmem>>, vector<1x2xf32>,
    return
  }
}

</mosaic_0001>

<sc_bundles>
// kernel: kernel.5.cloned.1.call-start
scs
__scs_entry_jumppad:
0x0: {  	(pc) =	sbr.rel $0x88, $3  }
0x1: {  	(tag) =	ssettag $0x0;
	lr =	simm.s32 $0x1  }
0x2: {  	[smem:$0x3F94] =	sst lr;
	_ =	strace $0xD0000000  }
0x3: {  	_ = 	snop  }
0x4: {  	_ = 	snop  }
0x5: {  	_ = 	snop  }
0x6: {  	_ = 	snop  }
0x7: {  	_ = 	snop  }
__scs_overlays_trampoline_lowered:
0x8: {  	[smem:$0x3FA3] =	sst s0  }
0x9: {  	[smem:$0x3FA4] =	sst s1  }
0xa: {  	[smem:$0x3FA5] =	sst s2  }
0xb: {  	[smem:$0x3FA6] =	sst s3  }
0xc: {  	[smem:$0x3FA7] =	sst s4  }
0xd: {  	[smem:$0x3FA8] =	sst s5  }
0xe: {  	[smem:$0x3FA9] =	sst s6  }
0xf: {  	[smem:$0x3FAA] =	sst s7  }
0x10: {  	[smem:$0x3FAB] =	sst s8  }
0x11: {  	[smem:$0x3FAC] =	sst s9;
	s0 =	simm.s32 @!p0 $0x0  }
0x12: {  	s1 =	sld [smem:$0x3F92];
	s0 =	simm.s32 @p0 $0x1  }
0x13: {  	[smem:$0x3FAD] =	sst s0;
	s0 =	simm.s32 @!p1 $0x0  }
0x14: {  	s2 =	sld [smem:$0x3F91];
	s0 =	simm.s32 @p1 $0x1  }
0x15: {  	[smem:$0x3FAE] =	sst s0;
	s0 =	simm.s32 @!p2 $0x0  }
0x16: {  	s3 =	sld [smem:$0x3FDB];
	s0 =	simm.s32 @p2 $0x1  }
0x17: {  	s4 =	simm.s32 $0x1BF5;
	[smem:$0x3FB0] =	sst s0  }
0x18: {  	s0 =	sld [smem:$0x3F93];
	_ =	swait.ge [sflag:s4], $0x0  }
0x19: {  	s7 =	sld [smem:$0x3F94]  }
0x1a: {  	s8 =	sadd.s32 $0xFFFFE003, lr  }
0x1b: {  	s9 =	sadd.s32 $0xFFFFFEF7, lr;
	s5 =	simm.s32 $0xFFFFFFFF;
	p2 =	slt.u32 s8, $0xFFFFF086  }
0x1c: {  	p1 =	slt.u32 s9, $0xF7A;
	s5 =	simm.s32 @!p2 $0x0  }
0x1d: {  	s5 =	simm.s32 @p1 $0x1;
	p0 =	seq.s32 s7, s2  }
0x1e: {  	s7 =	smul.u32 @!p0 $0xF7A, s2;
	p2 =	seq.s32 @!p0 s5, $0x0  }
0x1f: {  	s9 =	smul.u32 $0xF7A, s1;
	s8 =	simm.s32 @!p0 $0x1BF5;
	p2 =	por !p2, p0  }
0x20: {  	[sflag:s8] =	ssyncset.s32 @!p0 $0xFFFFF086;
	s6 =	sadd.s32 @!p0 s3, s7;
	s7 =	simm.s32 @!p0 $0x108  }
0x21: {  	s3 =	sadd.s32 s3, s9;
	s6 =	sadd.s32 @!p0 $0x88, s6;
	s7 =	simm.s32 @p2 $0x1082  }
0x22: {  	[simem:s7], [sflag:s8] =	dma.local @!p0 [hbm:s6], $0xF7A  }
0x23: {  	s9 =	sor.u32 $0xD0000000, s2;
	s6 =	simm.s32 $0x108;
	_ =	swait.ge @!p0 [sflag:s8], $0x0  }
0x24: {  	s3 =	sadd.s32 $0x88, s3;
	s6 =	simm.s32 @!p1 $0x1082;
	[sflag:s4] =	ssyncset.s32 $0xFFFFF086  }
0x25: {  	[simem:s6], [sflag:s4] =	dma.local [hbm:s3], $0xF7A  }
0x26: {  	[smem:$0x3F94] =	sst s1;
	(tag) =	ssettag s2;
	_ =	strace s9  }
0x27: {  	s1 =	sld [smem:$0x3FA4]  }
0x28: {  	s2 =	sld [smem:$0x3FA5]  }
0x29: {  	s4 =	sld [smem:$0x3FA7]  }
0x2a: {  	p0 =	seq.s32 s5, $0x0;
	s5 =	sld [smem:$0x3FA8]  }
0x2b: {  	s6 =	sld [smem:$0x3FA9]  }
0x2c: {  	s7 =	sld [smem:$0x3FAA]  }
0x2d: {  	s3 =	simm.s32 $0x108;
	s8 =	sld [smem:$0x3FAB]  }
0x2e: {  	s3 =	simm.s32 @!p0 $0x1082;
	s9 =	sld [smem:$0x3FAC]  }
0x2f: {  	lr =	sadd.s32 s0, s3;
	s0 =	sld [smem:$0x3FA3]  }
0x30: {  	s3 =	sld [smem:$0x3FA6]  }
0x31: {  	[smem:$0x3FAF] =	sst s10  }
0x32: {  	s10 =	sld [smem:$0x3FAD];
	_ =	sdelay $0x3  }
0x33: {  	p0 =	seq.s32 s10, $0x1;
	s10 =	sld [smem:$0x3FAF];
	_ =	sdelay $0x3  }
0x34: {  	[smem:$0x3FAF] =	sst s10  }
0x35: {  	s10 =	sld [smem:$0x3FAE];
	_ =	sdelay $0x3  }
0x36: {  	p1 =	seq.s32 s10, $0x1;
	s10 =	sld [smem:$0x3FAF];
	_ =	sdelay $0x3  }
0x37: {  	[smem:$0x3FAF] =	sst s10  }
0x38: {  	s10 =	sld [smem:$0x3FB0]  }
0x39: {  	_ = 	snop;
	(pc) =	sbr.ind lr, $3  }
0x3a: {  	_ = 	snop  }
0x3b: {  	_ = 	snop  }
0x3c: {  	p2 =	seq.s32 s10, $0x1;
	s10 =	sld [smem:$0x3FAF]  }
0x3d: {  	_ =	shalt  }
0x3e: {  	_ =	shalt  }
0x3f: {  	_ =	shalt  }
0x40: {  	_ =	shalt  }
0x41: {  	_ =	shalt  }
0x42: {  	_ =	shalt  }
0x43: {  	_ =	shalt  }
0x44: {  	_ =	shalt  }
0x45: {  	_ =	shalt  }
0x46: {  	_ =	shalt  }
0x47: {  	_ =	shalt  }
0x48: {  	_ =	shalt  }
0x49: {  	_ =	shalt  }
0x4a: {  	_ =	shalt  }
0x4b: {  	_ =	shalt  }
0x4c: {  	_ =	shalt  }
0x4d: {  	_ =	shalt  }
0x4e: {  	_ =	shalt  }
0x4f: {  	_ =	shalt  }
0x50: {  	_ =	shalt  }
0x51: {  	_ =	shalt  }
0x52: {  	_ =	shalt  }
0x53: {  	_ =	shalt  }
0x54: {  	_ =	shalt  }
0x55: {  	_ =	shalt  }
0x56: {  	_ =	shalt  }
0x57: {  	_ =	shalt  }
0x58: {  	_ =	shalt  }
0x59: {  	_ =	shalt  }
0x5a: {  	_ =	shalt  }
0x5b: {  	_ =	shalt  }
0x5c: {  	_ =	shalt  }
0x5d: {  	_ =	shalt  }
0x5e: {  	_ =	shalt  }
0x5f: {  	_ =	shalt  }
0x60: {  	_ =	shalt  }
0x61: {  	_ =	shalt  }
0x62: {  	_ =	shalt  }
0x63: {  	_ =	shalt  }
0x64: {  	_ =	shalt  }
0x65: {  	_ =	shalt  }
0x66: {  	_ =	shalt  }
0x67: {  	_ =	shalt  }
0x68: {  	_ =	shalt  }
0x69: {  	_ =	shalt  }
0x6a: {  	_ =	shalt  }
0x6b: {  	_ =	shalt  }
0x6c: {  	_ =	shalt  }
0x6d: {  	_ =	shalt  }
0x6e: {  	_ =	shalt  }
0x6f: {  	_ =	shalt  }
0x70: {  	_ =	shalt  }
0x71: {  	_ =	shalt  }
0x72: {  	_ =	shalt  }
0x73: {  	_ =	shalt  }
0x74: {  	_ =	shalt  }
0x75: {  	_ =	shalt  }
0x76: {  	_ =	shalt  }
0x77: {  	_ =	shalt  }
0x78: {  	_ =	shalt  }
0x79: {  	_ =	shalt  }
0x7a: {  	_ =	shalt  }
0x7b: {  	_ =	shalt  }
0x7c: {  	_ =	shalt  }
0x7d: {  	_ =	shalt  }
0x7e: {  	_ =	shalt  }
0x7f: {  	_ =	shalt  }
0x80: {  	_ =	shalt  }
0x81: {  	_ =	shalt  }
0x82: {  	_ =	shalt  }
0x83: {  	_ =	shalt  }
0x84: {  	_ =	shalt  }
0x85: {  	_ =	shalt  }
0x86: {  	_ =	shalt  }
0x87: {  	_ =	shalt  }
.Lfunc_end0:
.L_simem_size_0:
called_computation_lowered:
.L_overlay_start_0:
0x88: {  	s2 =	sld [smem:$0x3FD9]  }
0x89: {  	s3 =	sld [smem:$0x3FFE];
	_ =	sdelay $0x1  }
0x8a: {  	s1 =	srdreg.scid  }
0x8b: {  	s0 =	sand.u32 $0x1, s1  }
0x8c: {  	s16 =	sshll.u32 s0, $0xA;
	s2 =	sadd.s32 s3, s2  }
0x8d: {  	s2 =	sadd.s32 s2, s16  }
0x8e: {  	[smem:$0x3FBB] =	sst s2  }
0x8f: {  	_ = 	snop  }
0x90: {  	(tm) =	ssettm $0x1  }
0x91: {  	s17 =	sld [smem:$0x3FFB];
	_ =	sdelay $0x3  }
0x92: {  	_ =	strace s17  }
0x93: {  	s2 =	sld [smem:$0x3FFC];
	_ =	sdelay $0x3  }
0x94: {  	_ =	strace s2  }
0x95: {  	s2 =	sld [smem:$0x3FFD];
	_ =	sdelay $0x3  }
0x96: {  	_ =	strace s2  }
0x97: {  	_ =	strace $0x8FFFFFFF  }
0x98: {  	s18 =	sld [smem:$0x3FDB];
	_ =	sdelay $0x1  }
0x99: {  	s19 =	simm.s32 $_scs_section_size  }
0x9a: {  	s4 =	simm.s32 $_size__tile_overlayer_lowered;
	s5 =	simm.s32 $_tile_overlayer_lowered  }
0x9b: {  	s22 =	simm.s32 $0x1BFF;
	s21 =	sshll.u32 s5, $0x1;
	s2 =	sadd.s32 s19, s18  }
0x9c: {  	s6 =	simm.s32 $0x0;
	s20 =	sshll.u32 s4, $0x1;
	s4 =	sadd.s32 s21, s2  }
0x9d: {  	[timem:s6], [sflag:s22] =	dma.local [hbm:s4], s20  }
0x9e: {  	_ =	swait.ge [sflag:s22], s20  }
0x9f: {  	s3 =	ssub.s32 $0x0, s20;
	[sflag:s22] =	ssyncset.done $0x0  }
0xa0: {  	[sflag:s22] =	ssyncadd.s32 s3;
	_ =	sdelay $0x1  }
0xa1: {  	s23 =	simm.s32 $0x1B8B  }
0xa2: {  	_ =	swait.ge [sflag:s23], $0x1  }
0xa3: {  	[sflag:s23] =	ssyncset.done $0x0  }
0xa4: {  	s25 =	simm.s32 $0x1B8E;
	s24 =	sld [smem:$0x3FFE];
	[sflag:s23] =	ssyncadd.s32 $0xFFFFFFFF  }
0xa5: {  	s26 =	simm.s32 $execute0_lowered;
	[smem:$0x3FD2] =	sst s25  }
0xa6: {  	s4 =	sshll.u32 s26, $0x1;
	_ =	strace $0x80000046;
	[dreg:$0x1] =	wrdreg $0xFFFFFFFF  }
0xa7: {  	s28 =	simm.s32 $_size_execute0_lowered;
	s2 =	sadd.s32 s2, s4;
	[dreg:$0x0] =	wrdreg $0x0  }
0xa8: {  	s4 =	sshll.u32 s28, $0x1;
	[dreg:$0x2] =	wrdreg s2  }
0xa9: {  	[dreg:$0x3] =	wrdreg s4  }
0xaa: {  	[dreg:$0x4] =	wrdreg $0xC0  }
0xab: {  	_ =	task [dreg:s6], $0x5FFFF  }
0xac: {  	[dreg:$0x1] =	wrdreg $0xFFFFFFFF  }
0xad: {  	[dreg:$0x0] =	wrdreg $0x60  }
0xae: {  	[dreg:$0x2] =	wrdreg s24  }
0xaf: {  	[dreg:$0x3] =	wrdreg $0x9  }
0xb0: {  	_ =	task.clear_ibuf [dreg:s6], $0x4FFFF;
	_ =	strace $0x90000046  }
0xb1: {  	s29 =	simm.s32 $0x9;
	_ =	strace $0x80000048  }
0xb2: {  	_ =	swait.ge [sflag:s29], $0x1  }
0xb3: {  	[sflag:s29] =	ssyncadd.s32 $0xFFFFFFFF  }
0xb4: {  	_ =	strace $0x90000048  }
0xb5: {  	_ =	sfence  }
0xb6: {  	s30 =	sld [smem:$0x0];
	_ =	sdelay $0x2  }
0xb7: {  	s31 =	sshll.u32 s1, $0xD;
	s1 =	sshrl.u32 s1, $0x2  }
0xb8: {  	s3 =	sand.u32 $0x4000, s31;
	s1 =	sadd.s32 s1, s30  }
0xb9: {  	s0 =	sor.u32 s3, s0;
	s1 =	sshll.u32 s1, $0x11  }
0xba: {  	s0 =	sor.u32 s1, s0  }
0xbb: {  	s0 =	sadd.s32 $0x8F2B, s0  }
0xbc: {  	[sflag:s0] =	ssyncadd.remote.s32 $0x1  }
0xbd: {  	_ =	sfence.sel $0xFFFF  }
0xbe: {  	[dreg:$0x0] =	wrdreg $0xFFFFFFFF;
	(pc) =	sbr.abs _section_cstart, $3  }
0xbf: {  	[dreg:$0x1] =	wrdreg $0xFFFFFFFF  }
0xc0: {  	_ =	task.clear_ibuf [dreg:s6], $0x2FFFF;
	_ =	strace $0x9FFFFFFF  }
0xc1: {  	(tm) =	ssettm $0x7FFFFFFF  }
tec
execute0_lowered:
.L_overlay_start_1:
0x0: {  	(tag) =	ssettag $0x1  }
0x1: {  	s3 =	rddreg [dreg:$0x0]  }
0x2: {  	s0 =	rddreg [dreg:$0x1];
	s4 =	srdreg.scid  }
0x3: {  	s1 =	stileid.u32;
	s2 =	simm.s32 $0x0;
	s10 =	simm.s32 $0x400  }
0x4: {  	s11 =	simm.s32 $0x880;
	s12 =	simm.s32 $0x0;
	s4 =	sand.u32 $0x1, s4  }
0x5: {  	s5 =	sshll.u32 s1, $0x1;
	[smem:$0x7FF] =	sst s2;
	s8 =	sshll.u32 s1, $0x8  }
0x6: {  	s5 =	sor.u32 s4, s5;
	_ =	strace $0x80000047;
	s8 =	sand.u32 $0xC00, s8  }
0x7: {  	s4 =	ssub.s32 $0x2, s4;
	s6 =	sshll.u32 s5, $0x8;
	s7 =	sshll.u32 s5, $0x2  }
0x8: {  	s5 =	sshll.u32 s5, $0x4;
	s8 =	sadd.s32 s8, s3;
	s31 =	sshrl.u32 s4, $0x1  }
0x9: {  	s6 =	sadd.s32 s6, s3;
	s7 =	sadd.s32 s7, s3;
	s5 =	sand.u32 $0x70, s5  }
0xa: {  	s9 =	ssub.s32 s4, s31;
	s3 =	sadd.s32 $0x1200, s6;
	s5 =	sadd.s32 s5, s8  }
0xb: {  	s4 =	sadd.s32 $0x3200, s7;
	s6 =	smax.u32 s9, $0x1;
	s7 =	simm.s32 $0x1  }
0xc: {  	v0 =	vimm.f32 $0.0e+00;
	s8 =	simm.s32 $0x800;
	s9 =	simm.s32 $0x80;
	s5 =	sadd.s32 $0x3400, s5  }
.LBB2_1:
0xd: {  	[tilespmem:s2], [sflag:$0x1] =	stream.linear.gather [hbm4b:s3+s2], $0x800, $0x38;
	[tilespmem:$0xD00] =	vst v63  }
0xe: {  	_ =	swait.ge [sflag:s7], $0x800  }
0xf: {  	[sflag:s7] =	ssyncset.done $0x0  }
0x10: {  	[sflag:s7] =	ssyncadd.s32 $0xFFFFF800  }
0x11: {  	[tilespmem:s8], [sflag:$0x1] =	stream.linear.gather [hbm4b:s4+s2], $0x30, $0x38;
	[tilespmem:$0xD00] =	vst v63  }
0x12: {  	_ =	swait.ge [sflag:s7], $0x30  }
0x13: {  	[sflag:s7] =	ssyncset.done $0x0  }
0x14: {  	[sflag:s7] =	ssyncadd.s32 $0xFFFFFFD0  }
0x15: {  	[tilespmem:$0x880] =	vst v0  }
0x16: {  	[tilespmem:$0x890] =	vst v0  }
0x17: {  	[tilespmem:$0x8A0] =	vst v0  }
0x18: {  	[tilespmem:$0x8B0] =	vst v0  }
0x19: {  	[tilespmem:$0x8C0] =	vst v0  }
0x1a: {  	[tilespmem:$0x8D0] =	vst v0  }
0x1b: {  	[tilespmem:$0x8E0] =	vst v0  }
0x1c: {  	[tilespmem:$0x8F0] =	vst v0  }
0x1d: {  	[tilespmem:$0x900] =	vst v0  }
0x1e: {  	[tilespmem:$0x910] =	vst v0  }
0x1f: {  	[tilespmem:$0x920] =	vst v0  }
0x20: {  	[tilespmem:$0x930] =	vst v0  }
0x21: {  	[tilespmem:$0x940] =	vst v0  }
0x22: {  	[tilespmem:$0x950] =	vst v0  }
0x23: {  	[tilespmem:$0x960] =	vst v0  }
0x24: {  	[tilespmem:$0x970] =	vst v0  }
0x25: {  	[tilespmem:$0x980] =	vst v0  }
0x26: {  	[tilespmem:$0x990] =	vst v0  }
0x27: {  	[tilespmem:$0x9A0] =	vst v0  }
0x28: {  	[tilespmem:$0x9B0] =	vst v0  }
0x29: {  	[tilespmem:$0x9C0] =	vst v0  }
0x2a: {  	[tilespmem:$0x9D0] =	vst v0  }
0x2b: {  	[tilespmem:$0x9E0] =	vst v0  }
0x2c: {  	[tilespmem:$0x9F0] =	vst v0  }
0x2d: {  	[tilespmem:$0xA00] =	vst v0  }
0x2e: {  	[tilespmem:$0xA10] =	vst v0  }
0x2f: {  	[tilespmem:$0xA20] =	vst v0  }
0x30: {  	[tilespmem:$0xA30] =	vst v0  }
0x31: {  	[tilespmem:$0xA40] =	vst v0  }
0x32: {  	[tilespmem:$0xA50] =	vst v0  }
0x33: {  	[tilespmem:$0xA60] =	vst v0  }
0x34: {  	[tilespmem:$0xA70] =	vst v0  }
0x35: {  	[tilespmem:$0xA80] =	vst v0  }
0x36: {  	[tilespmem:$0xA90] =	vst v0  }
0x37: {  	[tilespmem:$0xAA0] =	vst v0  }
0x38: {  	[tilespmem:$0xAB0] =	vst v0  }
0x39: {  	[tilespmem:$0xAC0] =	vst v0  }
0x3a: {  	[tilespmem:$0xAD0] =	vst v0  }
0x3b: {  	[tilespmem:$0xAE0] =	vst v0  }
0x3c: {  	[tilespmem:$0xAF0] =	vst v0  }
0x3d: {  	[tilespmem:$0xB00] =	vst v0  }
0x3e: {  	[tilespmem:$0xB10] =	vst v0  }
0x3f: {  	[tilespmem:$0xB20] =	vst v0  }
0x40: {  	[tilespmem:$0xB30] =	vst v0  }
0x41: {  	[tilespmem:$0xB40] =	vst v0  }
0x42: {  	[tilespmem:$0xB50] =	vst v0  }
0x43: {  	[tilespmem:$0xB60] =	vst v0  }
0x44: {  	[tilespmem:$0xB70] =	vst v0  }
0x45: {  	[tilespmem:$0xB80] =	vst v0  }
0x46: {  	[tilespmem:$0xB90] =	vst v0  }
0x47: {  	[tilespmem:$0xBA0] =	vst v0  }
0x48: {  	[tilespmem:$0xBB0] =	vst v0  }
0x49: {  	[tilespmem:$0xBC0] =	vst v0  }
0x4a: {  	[tilespmem:$0xBD0] =	vst v0  }
0x4b: {  	[tilespmem:$0xBE0] =	vst v0  }
0x4c: {  	[tilespmem:$0xBF0] =	vst v0  }
0x4d: {  	[tilespmem:$0xC00] =	vst v0  }
0x4e: {  	[tilespmem:$0xC10] =	vst v0  }
0x4f: {  	[tilespmem:$0xC20] =	vst v0  }
0x50: {  	[tilespmem:$0xC30] =	vst v0  }
0x51: {  	[tilespmem:$0xC40] =	vst v0  }
0x52: {  	[tilespmem:$0xC50] =	vst v0  }
0x53: {  	[tilespmem:$0xC60] =	vst v0  }
0x54: {  	[tilespmem:$0xC70] =	vst v0  }
0x55: {  	[tilespmem:$0xC80] =	vst v0  }
0x56: {  	[tilespmem:$0xC90] =	vst v0  }
0x57: {  	[tilespmem:$0xCA0] =	vst v0  }
0x58: {  	s13 =	simm.s32 $0x0;
	[tilespmem:$0xCB0] =	vst v0  }
0x59: {  	v1 =	vld [tilespmem:s13+$0x800];
	_ =	sdelay $0x4  }
0x5a: {  	(v2sf) =	vpush v1, $0x0;
	_ =	sdelay $0xe  }
0x5b: {  	s14 =	spop (v2sf)  }
0x5c: {  	s13 =	simm.s32 $0x20;
	s14 =	sshll.u32 s14, $0x8  }
0x5d: {  	v1 =	vld [tilespmem:s13+$0xFFFFFFE0];
	s16 =	sshra.s32 s14, $0x2  }
0x5e: {  	v2 =	vld [tilespmem:s16+$0x880];
	_ =	sdelay $0x4  }
0x5f: {  	v1 =	vadd.f32 v1, v2;
	_ =	sdelay $0x1  }
0x60: {  	[tilespmem:s16+$0x880] =	vst v1;
	v1 =	vld [tilespmem:s16+$0x890]  }
0x61: {  	v2 =	vld [tilespmem:s13+$0xFFFFFFF0];
	_ =	sdelay $0x4  }
0x62: {  	v1 =	vadd.f32 v2, v1;
	_ =	sdelay $0x1  }
0x63: {  	[tilespmem:s16+$0x890] =	vst v1;
	v1 =	vld [tilespmem:s16+$0x8A0]  }
0x64: {  	v2 =	vld [tilespmem:s13+$0x0];
	_ =	sdelay $0x4  }
0x65: {  	v1 =	vadd.f32 v2, v1;
	_ =	sdelay $0x1  }
0x66: {  	[tilespmem:s16+$0x8A0] =	vst v1;
	v1 =	vld [tilespmem:s16+$0x8B0]  }
0x67: {  	v2 =	vld [tilespmem:s13+$0x10];
	_ =	sdelay $0x4  }
0x68: {  	s17 =	simm.s32 $0x8;
	s14 =	simm.s32 $0x4;
	v1 =	vadd.f32 v2, v1  }
.LBB2_2:
0x69: {  	s18 =	sshra.s32 s14, $0x2  }
0x6a: {  	s13 =	sadd.s32 $0x40, s13;
	s14 =	smov.u32 s17;
	s15 =	sadd.s32 $0x4, s17;
	[tilespmem:s16+$0x8B0] =	vst v1  }
0x6b: {  	p0 =	sne.s32 s17, $0x7C;
	v1 =	vld [tilespmem:s18+$0x800];
	_ =	sdelay $0x4  }
0x6c: {  	(v2sf) =	vpush v1, $0x0;
	_ =	sdelay $0xe  }
0x6d: {  	s16 =	spop (v2sf)  }
0x6e: {  	s16 =	sshll.u32 s16, $0x8  }
0x6f: {  	s16 =	sshra.s32 s16, $0x2;
	v1 =	vld [tilespmem:s13+$0xFFFFFFE0]  }
0x70: {  	v2 =	vld [tilespmem:s16+$0x880];
	_ =	sdelay $0x4  }
0x71: {  	v1 =	vadd.f32 v1, v2;
	_ =	sdelay $0x1  }
0x72: {  	[tilespmem:s16+$0x880] =	vst v1;
	v1 =	vld [tilespmem:s16+$0x890]  }
0x73: {  	v2 =	vld [tilespmem:s13+$0xFFFFFFF0];
	_ =	sdelay $0x4  }
0x74: {  	v1 =	vadd.f32 v2, v1;
	_ =	sdelay $0x1  }
0x75: {  	[tilespmem:s16+$0x890] =	vst v1;
	v1 =	vld [tilespmem:s16+$0x8A0]  }
0x76: {  	v2 =	vld [tilespmem:s13+$0x0];
	_ =	sdelay $0x4  }
0x77: {  	v1 =	vadd.f32 v2, v1;
	_ =	sdelay $0x1  }
0x78: {  	[tilespmem:s16+$0x8A0] =	vst v1;
	v1 =	vld [tilespmem:s16+$0x8B0]  }
0x79: {  	v2 =	vld [tilespmem:s13+$0x10]  }
.Ltmp0:
0x7a: {  	(pc) =	sbr.rel @p0 .LBB2_2-.Ltmp0, $2  }
0x7b: {  	_ =	sdelay $0x2  }
0x7c: {  	s17 =	smov.u32 s15;
	v1 =	vadd.f32 v2, v1  }
0x7d: {  	_ = 	snop  }
0x7e: {  	s14 =	sshra.s32 s14, $0x2;
	[tilespmem:s16+$0x8B0] =	vst v1  }
0x7f: {  	v1 =	vld [tilespmem:s14+$0x800];
	_ =	sdelay $0x4  }
0x80: {  	(v2sf) =	vpush v1, $0x0;
	_ =	sdelay $0xe  }
0x81: {  	s31 =	spop (v2sf)  }
0x82: {  	s13 =	sadd.s32 $0x40, s13;
	s14 =	sshll.u32 s31, $0x8  }
0x83: {  	v1 =	vld [tilespmem:s13+$0xFFFFFFE0];
	s14 =	sshra.s32 s14, $0x2  }
0x84: {  	v2 =	vld [tilespmem:s14+$0x880];
	_ =	sdelay $0x4  }
0x85: {  	v1 =	vadd.f32 v1, v2;
	_ =	sdelay $0x1  }
0x86: {  	[tilespmem:s14+$0x880] =	vst v1;
	v1 =	vld [tilespmem:s14+$0x890]  }
0x87: {  	v2 =	vld [tilespmem:s13+$0xFFFFFFF0];
	_ =	sdelay $0x4  }
0x88: {  	v1 =	vadd.f32 v2, v1;
	_ =	sdelay $0x1  }
0x89: {  	[tilespmem:s14+$0x890] =	vst v1;
	v1 =	vld [tilespmem:s14+$0x8A0]  }
0x8a: {  	v2 =	vld [tilespmem:s13+$0x0];
	_ =	sdelay $0x4  }
0x8b: {  	v1 =	vadd.f32 v2, v1;
	_ =	sdelay $0x1  }
0x8c: {  	[tilespmem:s14+$0x8A0] =	vst v1;
	v1 =	vld [tilespmem:s14+$0x8B0]  }
0x8d: {  	v2 =	vld [tilespmem:s13+$0x10];
	_ =	sdelay $0x4  }
0x8e: {  	s12 =	sadd.s32 $0x1, s12;
	v1 =	vadd.f32 v2, v1  }
0x8f: {  	p0 =	sne.s32 s12, s6  }
.Ltmp1:
0x90: {  	[tilespmem:s14+$0x8B0] =	vst v1;
	(pc) =	sbr.rel @p0 .LBB2_1-.Ltmp1, $4  }
0x91: {  	[hbm4b:s5+s9] =	stream.strided.scatter [tilespmem:s11], [sflag:$0x1], $0x400, s10, s9, $0x38;
	[tilespmem:$0xD00] =	vst v63  }
0x92: {  	_ =	swait.ge [sflag:s7], $0x400  }
0x93: {  	[sflag:s7] =	ssyncset.done $0x0  }
0x94: {  	[sflag:s7] =	ssyncadd.s32 $0xFFFFFC00  }
0x95: {  	_ =	sfence.sel $0x180000  }
0x96: {  	[bflag:$0x0] =	sbarrier.arrive $0xFFFF  }
0x97: {  	p0 =	sne.s32 s1, $0x0;
	_ =	strace $0x90000047  }
0x98: {  	s0 =	sadd.s32 @!p0 $0x100000, s0;
	[bflag:$0x2] =	sbarrier.arrive $0xFFFF  }
0x99: {  	[sflag:s0] =	ssyncadd.tile.s32 @!p0 $0x1;
	_ =	shalt  }
.Lfunc_end2:
_tile_overlayer_lowered:
.L_overlay_start_2:
0x9a: {  	(tag) =	ssettag $0x2  }
0x9b: {  	s0 =	rddreg [dreg:$0x0];
	s2 =	stileid.u32  }
0x9c: {  	s1 =	rddreg [dreg:$0x1];
	p0 =	sne.s32 s2, $0x0  }
0x9d: {  	s3 =	rddreg [dreg:$0x2];
	[bflag:$0x3] =	sbarrier.arrive $0xFFFF;
	s2 =	simm.s32 @!p0 $0x1C01  }
0x9e: {  	[timem:s3], [sflag:s2] =	dma.local @!p0 [hbm:s0], s1  }
0x9f: {  	s0 =	simm.s32 @!p0 $0x1  }
0xa0: {  	_ =	swait.ge @!p0 [sflag:s0], s1  }
0xa1: {  	s1 =	ssub.s32 @!p0 $0x0, s1;
	[sflag:s0] =	ssyncset.done @!p0 $0x0  }
0xa2: {  	[sflag:s0] =	ssyncadd.s32 @!p0 s1  }
0xa3: {  	[bflag:$0x3] =	sbarrier.arrive $0xFFFF  }
0xa4: {  	_ =	shalt  }

</sc_bundles>
